<compile_context>
chip_gen: v7x
topology: tpu7x:2x2x1
jax: 0.10.2.dev20260603
libtpu: 0.0.44.dev20260713+nightly
codegen_flags: <defaults>
</compile_context>

<pallas_src>
import numpy as np
import jax
import jax.numpy as jnp
from jax.experimental import pallas as pl

F = np.float32
_C4 = F(0.919999957)
_C6 = F(0.920000076)
_BW = F(0.01)
_CP4 = F(F(F(_BW + _BW) + _BW) + _BW)
_TB = F(0.02)
_T0 = F(0.0 - _TB)
_T1 = F(_BW - _TB)
_T2 = F(F(_BW + _BW) - _TB)
_T3 = F(F(F(_BW + _BW) + _BW) - _TB)
_T4 = F(_CP4 - _TB)
_Q2 = F(_BW + _BW)
_A0 = F(0.0 - _BW)
_A1 = F(_BW - _BW)
_A2 = F(_Q2 - _BW)


def _spline_block(x, c0, c1, c2, c3, g0, g1, g2, g3, g4, g5):
    mx = jnp.maximum(jnp.maximum(c0, c1), jnp.maximum(c2, c3))
    E0 = jnp.exp(c0 - mx); E1 = jnp.exp(c1 - mx)
    E2 = jnp.exp(c2 - mx); E3 = jnp.exp(c3 - mx)
    S = (E0 + E2) + (E1 + E3)
    d1 = (E0 / S) * _C4 + _BW
    d2 = (E1 / S) * _C4 + _BW
    d3 = (E2 / S) * _C4 + _BW
    d4 = (E3 / S) * _C4 + _BW

    p5 = _CP4 + d1
    p6 = p5 + d2
    p7 = p6 + d3
    p8 = p7 + d4
    p9 = p8 + _BW
    p10 = p9 + _BW
    p11 = p10 + _BW
    p12 = p11 + _BW
    T5 = p5 - _TB
    T6 = p6 - _TB
    T7 = p7 - _TB
    T8 = p8 - _TB
    T9 = p9 - _TB
    T10 = p10 - _TB
    T11 = p11 - _TB
    T12 = p12 - _TB
    T0 = jnp.full_like(x, _T0); T1 = jnp.full_like(x, _T1)
    T2 = jnp.full_like(x, _T2); T3c = jnp.full_like(x, _T3)
    T4 = jnp.full_like(x, _T4)

    mg = jnp.maximum(jnp.maximum(jnp.maximum(g0, g1), jnp.maximum(g2, g3)),
                     jnp.maximum(g4, g5))
    F0 = jnp.exp(g0 - mg); F1 = jnp.exp(g1 - mg); F2 = jnp.exp(g2 - mg)
    F3 = jnp.exp(g3 - mg); F4 = jnp.exp(g4 - mg); F5 = jnp.exp(g5 - mg)
    SG = ((F0 + F4) + F2) + ((F1 + F5) + F3)
    e1 = (F0 / SG) * _C6 + _BW
    e2 = (F1 / SG) * _C6 + _BW
    e3 = (F2 / SG) * _C6 + _BW
    e4 = (F3 / SG) * _C6 + _BW
    e5 = (F4 / SG) * _C6 + _BW
    e6 = (F5 / SG) * _C6 + _BW

    q3 = _Q2 + e1
    q4 = q3 + e2
    q5 = q4 + e3
    q6 = q5 + e4
    q7 = q6 + e5
    q8 = q7 + e6
    q9 = q8 + _BW
    q10 = q9 + _BW
    A3 = q3 - _BW
    A4 = q4 - _BW
    A5 = q5 - _BW
    A6 = q6 - _BW
    A7 = q7 - _BW
    A8 = q8 - _BW
    A9 = q9 - _BW
    A10 = q10 - _BW
    A0 = jnp.full_like(x, _A0); A1 = jnp.full_like(x, _A1)
    A2 = jnp.full_like(x, _A2)

    m1 = x >= T3c
    m2 = x >= T4
    m3 = x >= T5
    m4 = x >= T6
    m5 = x >= T7
    m6 = x >= T8
    m7 = x >= T9

    def sel(v0, v1, v2, v3, v4, v5, v6, v7):
        x01 = jnp.where(m1, v1, v0)
        x23 = jnp.where(m3, v3, v2)
        x45 = jnp.where(m5, v5, v4)
        x67 = jnp.where(m7, v7, v6)
        y0 = jnp.where(m2, x23, x01)
        y1 = jnp.where(m6, x67, x45)
        return jnp.where(m4, y1, y0)

    tm2 = sel(T0, T1, T2, T3c, T4, T5, T6, T7)
    tm1 = sel(T1, T2, T3c, T4, T5, T6, T7, T8)
    t0 = sel(T2, T3c, T4, T5, T6, T7, T8, T9)
    t1 = sel(T3c, T4, T5, T6, T7, T8, T9, T10)
    t2 = sel(T4, T5, T6, T7, T8, T9, T10, T11)
    t3 = sel(T5, T6, T7, T8, T9, T10, T11, T12)
    km3 = sel(A0, A1, A2, A3, A4, A5, A6, A7)
    km2 = sel(A1, A2, A3, A4, A5, A6, A7, A8)
    km1 = sel(A2, A3, A4, A5, A6, A7, A8, A9)
    km0 = sel(A3, A4, A5, A6, A7, A8, A9, A10)

    one = F(1.0)
    a = km0 * (one / ((t3 - t0) * (t2 - t0) * (t1 - t0))) + km1 * (-one / ((t2 - tm1) * (t1 - tm1) * (t1 - t0)) - one / ((t2 - tm1) * (t2 - t0) * (t1 - t0)) - one / ((t3 - t0) * (t2 - t0) * (t1 - t0))) + km2 * (one / ((t1 - t0) * (t1 - tm2) * (t1 - tm1)) + one / ((t1 - t0) * (t2 - t0) * (t2 - tm1)) + one / ((t1 - t0) * (t1 - tm1) * (t2 - tm1))) + km3 * (-one / ((t1 - tm2) * (t1 - tm1) * (t1 - t0)))
    b = km0 * (F(-3) * t0 / ((t3 - t0) * (t2 - t0) * (t1 - t0))) + km1 * ((F(2) * tm1 + t1) / ((t2 - tm1) * (t1 - tm1) * (t1 - t0)) + (tm1 + t2 + t0) / ((t2 - tm1) * (t2 - t0) * (t1 - t0)) + (t3 + F(2) * t0) / ((t3 - t0) * (t2 - t0) * (t1 - t0))) + km2 * ((-F(2) * t1 - tm2) / ((t1 - t0) * (t1 - tm2) * (t1 - tm1)) + (-F(2) * t2 - t0) / ((t1 - t0) * (t2 - t0) * (t2 - tm1)) + (-t2 - t1 - tm1) / ((t1 - t0) * (t1 - tm1) * (t2 - tm1))) + km3 * (F(3) * t1 / ((t1 - tm2) * (t1 - tm1) * (t1 - t0)))
    c = km0 * (F(3) * t0 * t0 / ((t3 - t0) * (t2 - t0) * (t1 - t0))) + km1 * ((-tm1 * tm1 - F(2) * tm1 * t1) / ((t2 - tm1) * (t1 - tm1) * (t1 - t0)) + (-tm1 * t2 - tm1 * t0 - t2 * t0) / ((t2 - tm1) * (t2 - t0) * (t1 - t0)) + (-t0 * t0 - F(2) * t3 * t0) / ((t3 - t0) * (t2 - t0) * (t1 - t0))) + km2 * ((t1 * t1 + F(2) * t1 * tm2) / ((t1 - t0) * (t1 - tm2) * (t1 - tm1)) + ((t2 + F(2) * t0) * t2) / ((t1 - t0) * (t2 - t0) * (t2 - tm1)) + ((tm1 + t2) * t1 + t2 * tm1) / ((t1 - t0) * (t1 - tm1) * (t2 - tm1))) + km3 * (-F(3) * t1 * t1 / ((t1 - tm2) * (t1 - tm1) * (t1 - t0)))
    d = km0 * (-t0 * t0 * t0 / ((t3 - t0) * (t2 - t0) * (t1 - t0))) + km1 * (tm1 * tm1 * t1 / ((t2 - tm1) * (t1 - tm1) * (t1 - t0)) + tm1 * t2 * t0 / ((t2 - tm1) * (t2 - t0) * (t1 - t0)) + t3 * t0 * t0 / ((t3 - t0) * (t2 - t0) * (t1 - t0))) + km2 * (-(t1 * t1 * tm2) / ((t1 - t0) * (t1 - tm2) * (t1 - tm1)) - t0 * t2 * t2 / ((t1 - t0) * (t2 - t0) * (t2 - tm1)) - t2 * tm1 * t1 / ((t1 - t0) * (t1 - tm1) * (t2 - tm1))) + km3 * (t1 * t1 * t1 / ((t1 - tm2) * (t1 - tm1) * (t1 - t0)))

    out_in = ((a * x + b) * x + c) * x + d
    deriv = (F(3.0) * a * x + F(2.0) * b) * x + c
    lad_in = jnp.log(jnp.abs(deriv) + F(1e-12))

    inside = jnp.logical_and(x > F(0.0), x < F(1.0))
    outputs = jnp.where(inside, out_in, x)
    logabsdet = jnp.where(inside, lad_in, F(0.0))
    return outputs, logabsdet


def _kernel_body(x_ref, dt_ref, da_ref, out_ref, lad_ref):
    x = x_ref[...]
    outputs, logabsdet = _spline_block(
        x,
        dt_ref[0], dt_ref[1], dt_ref[2], dt_ref[3],
        da_ref[0], da_ref[1], da_ref[2], da_ref[3], da_ref[4], da_ref[5],
    )
    out_ref[...] = outputs
    lad_ref[...] = logabsdet


_BR = 512


def kernel(inputs, unnormalized_dt, unnormalized_dalpha):
    n = inputs.shape[0]
    nr = n // 128
    x2 = inputs.reshape(nr, 128)
    dt3 = unnormalized_dt.T.reshape(4, nr, 128)
    da3 = unnormalized_dalpha.T.reshape(6, nr, 128)
    grid = (nr // _BR,)
    out, lad = pl.pallas_call(
        _kernel_body,
        grid=grid,
        in_specs=[
            pl.BlockSpec((_BR, 128), lambda i: (i, 0)),
            pl.BlockSpec((4, _BR, 128), lambda i: (0, i, 0)),
            pl.BlockSpec((6, _BR, 128), lambda i: (0, i, 0)),
        ],
        out_specs=[
            pl.BlockSpec((_BR, 128), lambda i: (i, 0)),
            pl.BlockSpec((_BR, 128), lambda i: (i, 0)),
        ],
        out_shape=[
            jax.ShapeDtypeStruct((nr, 128), jnp.float32),
            jax.ShapeDtypeStruct((nr, 128), jnp.float32),
        ],
    )(x2, dt3, da3)
    return out.reshape(n), lad.reshape(n)

# --- scband reference (transcript-rebuilt; emitter-appended) ---
"""Pipeline reference for scband-cond-bspline-separated-and-cond-51101520887948 (READ-ONLY COPY).

The authoritative reference and input builder live on the scoring server;
editing this copy changes nothing except your own understanding.
"""

import jax, jax.numpy as jnp
import numpy as np

NUM_BINS = 8
MIN_BW = 0.01
MIN_BH = 0.01


def searchsorted(bin_locations, inputs, eps=1e-06):
    bl = bin_locations.at[..., -1].add(eps)
    return jnp.sum(inputs[..., None] >= bl, axis=-1) - 1


def _spline_forward(inputs, unnormalized_dt, unnormalized_dalpha):
    nb = NUM_BINS
    left_mask = inputs <= 0.0
    right_mask = inputs >= 1.0
    inside = jnp.logical_not(jnp.logical_or(left_mask, right_mask))

    dt = jax.nn.softmax(unnormalized_dt, axis=-1)
    dt = dt * (1.0 - 4.0 * MIN_BW)
    dt = MIN_BW + (1.0 - dt.shape[-1] * MIN_BW / (1.0 - 4.0 * MIN_BW)) * dt
    dt = jnp.pad(dt, ((0, 0), (4, 4)), mode='constant', constant_values=MIN_BW)
    t = jnp.cumsum(dt, axis=-1)
    t = jnp.pad(t, ((0, 0), (1, 0)), mode='constant', constant_values=0.0)
    t = t - 2.0 * MIN_BW

    dalpha = jax.nn.softmax(unnormalized_dalpha, axis=-1)
    dalpha = dalpha * (1.0 - 2.0 * MIN_BH)
    dalpha = MIN_BH + (1.0 - dalpha.shape[-1] * MIN_BH / (1.0 - 2.0 * MIN_BH)) * dalpha
    dalpha = jnp.pad(dalpha, ((0, 0), (2, 2)), mode='constant', constant_values=MIN_BH)
    alpha = jnp.cumsum(dalpha, axis=-1)
    alpha = jnp.pad(alpha, ((0, 0), (1, 0)), mode='constant', constant_values=0.0)
    alpha = alpha - MIN_BH

    cumwidths = t[..., 2:nb + 3]
    t_r = jnp.roll(t, shift=-2, axis=-1)
    knots = jnp.roll(alpha, shift=-3, axis=-1)

    bin_idx = jnp.clip(searchsorted(cumwidths, inputs), 0, nb - 1)[..., None]
    i0 = bin_idx
    im1 = jnp.remainder(bin_idx - 1, nb + 3)
    im2 = jnp.remainder(bin_idx - 2, nb + 3)
    im3 = jnp.remainder(bin_idx - 3, nb + 3)
    j3 = bin_idx + 3
    j2 = bin_idx + 2
    j1 = bin_idx + 1
    j0 = bin_idx
    jm1 = jnp.remainder(bin_idx - 1, nb + 5)
    jm2 = jnp.remainder(bin_idx - 2, nb + 5)

    g = lambda arr, idx: jnp.take_along_axis(arr, idx, axis=-1)[..., 0]
    km0 = g(knots, i0)
    km1 = g(knots, im1)
    km2 = g(knots, im2)
    km3 = g(knots, im3)
    t3 = g(t_r, j3)
    t2 = g(t_r, j2)
    t1 = g(t_r, j1)
    t0 = g(t_r, j0)
    tm1 = g(t_r, jm1)
    tm2 = g(t_r, jm2)

    a = km0 * (1 / ((t3 - t0) * (t2 - t0) * (t1 - t0))) + km1 * (-1 / ((t2 - tm1) * (t1 - tm1) * (t1 - t0)) - 1 / ((t2 - tm1) * (t2 - t0) * (t1 - t0)) - 1 / ((t3 - t0) * (t2 - t0) * (t1 - t0))) + km2 * (1 / ((t1 - t0) * (t1 - tm2) * (t1 - tm1)) + 1 / ((t1 - t0) * (t2 - t0) * (t2 - tm1)) + 1 / ((t1 - t0) * (t1 - tm1) * (t2 - tm1))) + km3 * (-1 / ((t1 - tm2) * (t1 - tm1) * (t1 - t0)))
    b = km0 * (-3 * t0 / ((t3 - t0) * (t2 - t0) * (t1 - t0))) + km1 * ((2 * tm1 + t1) / ((t2 - tm1) * (t1 - tm1) * (t1 - t0)) + (tm1 + t2 + t0) / ((t2 - tm1) * (t2 - t0) * (t1 - t0)) + (t3 + 2 * t0) / ((t3 - t0) * (t2 - t0) * (t1 - t0))) + km2 * ((-2 * t1 - tm2) / ((t1 - t0) * (t1 - tm2) * (t1 - tm1)) + (-2 * t2 - t0) / ((t1 - t0) * (t2 - t0) * (t2 - tm1)) + (-t2 - t1 - tm1) / ((t1 - t0) * (t1 - tm1) * (t2 - tm1))) + km3 * (3 * t1 / ((t1 - tm2) * (t1 - tm1) * (t1 - t0)))
    c = km0 * (3 * t0 * t0 / ((t3 - t0) * (t2 - t0) * (t1 - t0))) + km1 * ((-tm1 * tm1 - 2 * tm1 * t1) / ((t2 - tm1) * (t1 - tm1) * (t1 - t0)) + (-tm1 * t2 - tm1 * t0 - t2 * t0) / ((t2 - tm1) * (t2 - t0) * (t1 - t0)) + (-t0 * t0 - 2 * t3 * t0) / ((t3 - t0) * (t2 - t0) * (t1 - t0))) + km2 * ((t1 * t1 + 2 * t1 * tm2) / ((t1 - t0) * (t1 - tm2) * (t1 - tm1)) + (t2 * t2 + 2 * t0 * t2) / ((t1 - t0) * (t2 - t0) * (t2 - tm1)) + (t2 * t1 + tm1 * t1 + t2 * tm1) / ((t1 - t0) * (t1 - tm1) * (t2 - tm1))) + km3 * (-3 * t1 * t1 / ((t1 - tm2) * (t1 - tm1) * (t1 - t0)))
    d = km0 * (-t0 * t0 * t0 / ((t3 - t0) * (t2 - t0) * (t1 - t0))) + km1 * (tm1 * tm1 * t1 / ((t2 - tm1) * (t1 - tm1) * (t1 - t0)) + tm1 * t2 * t0 / ((t2 - tm1) * (t2 - t0) * (t1 - t0)) + t3 * t0 * t0 / ((t3 - t0) * (t2 - t0) * (t1 - t0))) + km2 * (-(t1 * t1 * tm2) / ((t1 - t0) * (t1 - tm2) * (t1 - tm1)) - t0 * t2 * t2 / ((t1 - t0) * (t2 - t0) * (t2 - tm1)) - t2 * tm1 * t1 / ((t1 - t0) * (t1 - tm1) * (t2 - tm1))) + km3 * (t1 * t1 * t1 / ((t1 - tm2) * (t1 - tm1) * (t1 - t0)))

    x = inputs
    out_in = ((a * x + b) * x + c) * x + d
    deriv = (3.0 * a * x + 2.0 * b) * x + c
    lad_in = jnp.log(jnp.abs(deriv) + 1e-12)

    outputs = jnp.where(inside, out_in, inputs)
    logabsdet = jnp.where(inside, lad_in, 0.0)
    return outputs, logabsdet


def setup_inputs(seed: int = 0) -> dict:
    key = jax.random.key(seed)
    k1, k2, k3 = jax.random.split(key, 3)
    N = 4194304
    inputs = jax.random.uniform(k1, (N,), dtype=jnp.float32, minval=0.0, maxval=1.0)
    unnormalized_dt = jax.random.normal(k2, (N, 4), dtype=jnp.float32)
    unnormalized_dalpha = jax.random.normal(k3, (N, 6), dtype=jnp.float32)
    return {"inputs": inputs, "unnormalized_dt": unnormalized_dt, "unnormalized_dalpha": unnormalized_dalpha}


def reference(inputs, unnormalized_dt, unnormalized_dalpha):
    return _spline_forward(inputs, unnormalized_dt, unnormalized_dalpha)

if __name__ == "__main__":
    import jax
    _d = setup_inputs()
    print(jax.jit(kernel)(*tuple(_d.values())))

</pallas_src>

<mosaic_0001>
module attributes {stable_mosaic.version = 14 : i64} {
  func.func @_kernel_body(%arg0: i32, %arg1: memref<512x128xf32, #tpu.memory_space<vmem>>, %arg2: memref<4x512x128xf32, #tpu.memory_space<vmem>>, %arg3: memref<6x512x128xf32, #tpu.memory_space<vmem>>, %arg4: memref<512x128xf32, #tpu.memory_space<vmem>>, %arg5: memref<512x128xf32, #tpu.memory_space<vmem>>) attributes {dimension_semantics = [#tpu.dimension_semantics<arbitrary>], iteration_bounds = array<i64: 64>, scalar_prefetch = 0 : i64, scratch_operands = 0 : i64, tpu.core_type = #tpu.core_type<tc>, window_params = [{transform_indices = @transform_0, window_bounds = array<i64: 512, 128>}, {transform_indices = @transform_1, window_bounds = array<i64: 4, 512, 128>}, {transform_indices = @transform_2, window_bounds = array<i64: 6, 512, 128>}, {transform_indices = @transform_3, window_bounds = array<i64: 512, 128>}, {transform_indices = @transform_4, window_bounds = array<i64: 512, 128>}]} {
    %get3A = arith.constant 0 : index
    %get3A_0 = arith.constant 0 : index
    %get3A_1 = vector.load %arg1[%get3A, %get3A_0] : memref<512x128xf32, #tpu.memory_space<vmem>>, vector<512x128xf32>
    %get3A_2 = arith.constant 0 : index
    %get3A_3 = arith.constant 0 : index
    %get3A_4 = arith.constant 0 : index
    %get3A_5 = vector.load %arg2[%get3A_2, %get3A_3, %get3A_4] : memref<4x512x128xf32, #tpu.memory_space<vmem>>, vector<1x512x128xf32>
    %get3A_6 = vector.shape_cast %get3A_5 : vector<1x512x128xf32> to vector<512x128xf32>
    %get3A_7 = arith.constant 1 : index
    %get3A_8 = arith.constant 0 : index
    %get3A_9 = arith.constant 0 : index
    %get3A_10 = vector.load %arg2[%get3A_7, %get3A_8, %get3A_9] : memref<4x512x128xf32, #tpu.memory_space<vmem>>, vector<1x512x128xf32>
    %get3A_11 = vector.shape_cast %get3A_10 : vector<1x512x128xf32> to vector<512x128xf32>
    %get3A_12 = arith.constant 2 : index
    %get3A_13 = arith.constant 0 : index
    %get3A_14 = arith.constant 0 : index
    %get3A_15 = vector.load %arg2[%get3A_12, %get3A_13, %get3A_14] : memref<4x512x128xf32, #tpu.memory_space<vmem>>, vector<1x512x128xf32>
    %get3A_16 = vector.shape_cast %get3A_15 : vector<1x512x128xf32> to vector<512x128xf32>
    %get3A_17 = arith.constant 3 : index
    %get3A_18 = arith.constant 0 : index
    %get3A_19 = arith.constant 0 : index
    %get3A_20 = vector.load %arg2[%get3A_17, %get3A_18, %get3A_19] : memref<4x512x128xf32, #tpu.memory_space<vmem>>, vector<1x512x128xf32>
    %get3A_21 = vector.shape_cast %get3A_20 : vector<1x512x128xf32> to vector<512x128xf32>
    %get3A_22 = arith.constant 0 : index
    %get3A_23 = arith.constant 0 : index
    %get3A_24 = arith.constant 0 : index
    %get3A_25 = vector.load %arg3[%get3A_22, %get3A_23, %get3A_24] : memref<6x512x128xf32, #tpu.memory_space<vmem>>, vector<1x512x128xf32>
    %get3A_26 = vector.shape_cast %get3A_25 : vector<1x512x128xf32> to vector<512x128xf32>
    %get3A_27 = arith.constant 1 : index
    %get3A_28 = arith.constant 0 : index
    %get3A_29 = arith.constant 0 : index
    %get3A_30 = vector.load %arg3[%get3A_27, %get3A_28, %get3A_29] : memref<6x512x128xf32, #tpu.memory_space<vmem>>, vector<1x512x128xf32>
    %get3A_31 = vector.shape_cast %get3A_30 : vector<1x512x128xf32> to vector<512x128xf32>
    %get3A_32 = arith.constant 2 : index
    %get3A_33 = arith.constant 0 : index
    %get3A_34 = arith.constant 0 : index
    %get3A_35 = vector.load %arg3[%get3A_32, %get3A_33, %get3A_34] : memref<6x512x128xf32, #tpu.memory_space<vmem>>, vector<1x512x128xf32>
    %get3A_36 = vector.shape_cast %get3A_35 : vector<1x512x128xf32> to vector<512x128xf32>
    %get3A_37 = arith.constant 3 : index
    %get3A_38 = arith.constant 0 : index
    %get3A_39 = arith.constant 0 : index
    %get3A_40 = vector.load %arg3[%get3A_37, %get3A_38, %get3A_39] : memref<6x512x128xf32, #tpu.memory_space<vmem>>, vector<1x512x128xf32>
    %get3A_41 = vector.shape_cast %get3A_40 : vector<1x512x128xf32> to vector<512x128xf32>
    %get3A_42 = arith.constant 4 : index
    %get3A_43 = arith.constant 0 : index
    %get3A_44 = arith.constant 0 : index
    %get3A_45 = vector.load %arg3[%get3A_42, %get3A_43, %get3A_44] : memref<6x512x128xf32, #tpu.memory_space<vmem>>, vector<1x512x128xf32>
    %get3A_46 = vector.shape_cast %get3A_45 : vector<1x512x128xf32> to vector<512x128xf32>
    %get3A_47 = arith.constant 5 : index
    %get3A_48 = arith.constant 0 : index
    %get3A_49 = arith.constant 0 : index
    %get3A_50 = vector.load %arg3[%get3A_47, %get3A_48, %get3A_49] : memref<6x512x128xf32, #tpu.memory_space<vmem>>, vector<1x512x128xf32>
    %get3A_51 = vector.shape_cast %get3A_50 : vector<1x512x128xf32> to vector<512x128xf32>
    %max3A = arith.maximumf %get3A_6, %get3A_11 : vector<512x128xf32>
    %max3A_52 = arith.maximumf %get3A_16, %get3A_21 : vector<512x128xf32>
    %max3A_53 = arith.maximumf %max3A, %max3A_52 : vector<512x128xf32>
    %sub3A = arith.subf %get3A_6, %max3A_53 : vector<512x128xf32>
    %exp3A = math.exp %sub3A : vector<512x128xf32>
    %sub3A_54 = arith.subf %get3A_11, %max3A_53 : vector<512x128xf32>
    %exp3A_55 = math.exp %sub3A_54 : vector<512x128xf32>
    %sub3A_56 = arith.subf %get3A_16, %max3A_53 : vector<512x128xf32>
    %exp3A_57 = math.exp %sub3A_56 : vector<512x128xf32>
    %sub3A_58 = arith.subf %get3A_21, %max3A_53 : vector<512x128xf32>
    %exp3A_59 = math.exp %sub3A_58 : vector<512x128xf32>
    %add3A = arith.addf %exp3A, %exp3A_57 : vector<512x128xf32>
    %add3A_60 = arith.addf %exp3A_55, %exp3A_59 : vector<512x128xf32>
    %add3A_61 = arith.addf %add3A, %add3A_60 : vector<512x128xf32>
    %div3A = arith.divf %exp3A, %add3A_61 : vector<512x128xf32>
    %mul3A = arith.constant 0.919999957 : f32
    %mul3A_62 = vector.broadcast %mul3A : f32 to vector<512x128xf32>
    %mul3A_63 = arith.mulf %div3A, %mul3A_62 : vector<512x128xf32>
    %add3A_64 = arith.constant 0.00999999977 : f32
    %add3A_65 = vector.broadcast %add3A_64 : f32 to vector<512x128xf32>
    %add3A_66 = arith.addf %mul3A_63, %add3A_65 : vector<512x128xf32>
    %div3A_67 = arith.divf %exp3A_55, %add3A_61 : vector<512x128xf32>
    %mul3A_68 = arith.constant 0.919999957 : f32
    %mul3A_69 = vector.broadcast %mul3A_68 : f32 to vector<512x128xf32>
    %mul3A_70 = arith.mulf %div3A_67, %mul3A_69 : vector<512x128xf32>
    %add3A_71 = arith.constant 0.00999999977 : f32
    %add3A_72 = vector.broadcast %add3A_71 : f32 to vector<512x128xf32>
    %add3A_73 = arith.addf %mul3A_70, %add3A_72 : vector<512x128xf32>
    %div3A_74 = arith.divf %exp3A_57, %add3A_61 : vector<512x128xf32>
    %mul3A_75 = arith.constant 0.919999957 : f32
    %mul3A_76 = vector.broadcast %mul3A_75 : f32 to vector<512x128xf32>
    %mul3A_77 = arith.mulf %div3A_74, %mul3A_76 : vector<512x128xf32>
    %add3A_78 = arith.constant 0.00999999977 : f32
    %add3A_79 = vector.broadcast %add3A_78 : f32 to vector<512x128xf32>
    %add3A_80 = arith.addf %mul3A_77, %add3A_79 : vector<512x128xf32>
    %div3A_81 = arith.divf %exp3A_59, %add3A_61 : vector<512x128xf32>
    %mul3A_82 = arith.constant 0.919999957 : f32
    %mul3A_83 = vector.broadcast %mul3A_82 : f32 to vector<512x128xf32>
    %mul3A_84 = arith.mulf %div3A_81, %mul3A_83 : vector<512x128xf32>
    %add3A_85 = arith.constant 0.00999999977 : f32
    %add3A_86 = vector.broadcast %add3A_85 : f32 to vector<512x128xf32>
    %add3A_87 = arith.addf %mul3A_84, %add3A_86 : vector<512x128xf32>
    %add3A_88 = arith.constant 4.000000e-02 : f32
    %add3A_89 = vector.broadcast %add3A_88 : f32 to vector<512x128xf32>
    %add3A_90 = arith.addf %add3A_89, %add3A_66 : vector<512x128xf32>
    %add3A_91 = arith.addf %add3A_90, %add3A_73 : vector<512x128xf32>
    %add3A_92 = arith.addf %add3A_91, %add3A_80 : vector<512x128xf32>
    %add3A_93 = arith.addf %add3A_92, %add3A_87 : vector<512x128xf32>
    %add3A_94 = arith.constant 0.00999999977 : f32
    %add3A_95 = vector.broadcast %add3A_94 : f32 to vector<512x128xf32>
    %add3A_96 = arith.addf %add3A_93, %add3A_95 : vector<512x128xf32>
    %add3A_97 = arith.constant 0.00999999977 : f32
    %add3A_98 = vector.broadcast %add3A_97 : f32 to vector<512x128xf32>
    %add3A_99 = arith.addf %add3A_96, %add3A_98 : vector<512x128xf32>
    %add3A_100 = arith.constant 0.00999999977 : f32
    %add3A_101 = vector.broadcast %add3A_100 : f32 to vector<512x128xf32>
    %add3A_102 = arith.addf %add3A_99, %add3A_101 : vector<512x128xf32>
    %add3A_103 = arith.constant 0.00999999977 : f32
    %add3A_104 = vector.broadcast %add3A_103 : f32 to vector<512x128xf32>
    %add3A_105 = arith.addf %add3A_102, %add3A_104 : vector<512x128xf32>
    %sub3A_106 = arith.constant 2.000000e-02 : f32
    %sub3A_107 = vector.broadcast %sub3A_106 : f32 to vector<512x128xf32>
    %sub3A_108 = arith.subf %add3A_90, %sub3A_107 : vector<512x128xf32>
    %sub3A_109 = arith.constant 2.000000e-02 : f32
    %sub3A_110 = vector.broadcast %sub3A_109 : f32 to vector<512x128xf32>
    %sub3A_111 = arith.subf %add3A_91, %sub3A_110 : vector<512x128xf32>
    %sub3A_112 = arith.constant 2.000000e-02 : f32
    %sub3A_113 = vector.broadcast %sub3A_112 : f32 to vector<512x128xf32>
    %sub3A_114 = arith.subf %add3A_92, %sub3A_113 : vector<512x128xf32>
    %sub3A_115 = arith.constant 2.000000e-02 : f32
    %sub3A_116 = vector.broadcast %sub3A_115 : f32 to vector<512x128xf32>
    %sub3A_117 = arith.subf %add3A_93, %sub3A_116 : vector<512x128xf32>
    %sub3A_118 = arith.constant 2.000000e-02 : f32
    %sub3A_119 = vector.broadcast %sub3A_118 : f32 to vector<512x128xf32>
    %sub3A_120 = arith.subf %add3A_96, %sub3A_119 : vector<512x128xf32>
    %sub3A_121 = arith.constant 2.000000e-02 : f32
    %sub3A_122 = vector.broadcast %sub3A_121 : f32 to vector<512x128xf32>
    %sub3A_123 = arith.subf %add3A_99, %sub3A_122 : vector<512x128xf32>
    %sub3A_124 = arith.constant 2.000000e-02 : f32
    %sub3A_125 = vector.broadcast %sub3A_124 : f32 to vector<512x128xf32>
    %sub3A_126 = arith.subf %add3A_102, %sub3A_125 : vector<512x128xf32>
    %sub3A_127 = arith.constant 2.000000e-02 : f32
    %sub3A_128 = vector.broadcast %sub3A_127 : f32 to vector<512x128xf32>
    %sub3A_129 = arith.subf %add3A_105, %sub3A_128 : vector<512x128xf32>
    %broadcast_in_dim3A = arith.constant -2.000000e-02 : f32
    %broadcast_in_dim3A_130 = vector.broadcast %broadcast_in_dim3A : f32 to vector<512x128xf32>
    %broadcast_in_dim3A_131 = arith.constant -0.00999999977 : f32
    %broadcast_in_dim3A_132 = vector.broadcast %broadcast_in_dim3A_131 : f32 to vector<512x128xf32>
    %broadcast_in_dim3A_133 = arith.constant 0.000000e+00 : f32
    %broadcast_in_dim3A_134 = vector.broadcast %broadcast_in_dim3A_133 : f32 to vector<512x128xf32>
    %broadcast_in_dim3A_135 = arith.constant 0.00999999977 : f32
    %broadcast_in_dim3A_136 = vector.broadcast %broadcast_in_dim3A_135 : f32 to vector<512x128xf32>
    %broadcast_in_dim3A_137 = arith.constant 2.000000e-02 : f32
    %broadcast_in_dim3A_138 = vector.broadcast %broadcast_in_dim3A_137 : f32 to vector<512x128xf32>
    %max3A_139 = arith.maximumf %get3A_26, %get3A_31 : vector<512x128xf32>
    %max3A_140 = arith.maximumf %get3A_36, %get3A_41 : vector<512x128xf32>
    %max3A_141 = arith.maximumf %max3A_139, %max3A_140 : vector<512x128xf32>
    %max3A_142 = arith.maximumf %get3A_46, %get3A_51 : vector<512x128xf32>
    %max3A_143 = arith.maximumf %max3A_141, %max3A_142 : vector<512x128xf32>
    %sub3A_144 = arith.subf %get3A_26, %max3A_143 : vector<512x128xf32>
    %exp3A_145 = math.exp %sub3A_144 : vector<512x128xf32>
    %sub3A_146 = arith.subf %get3A_31, %max3A_143 : vector<512x128xf32>
    %exp3A_147 = math.exp %sub3A_146 : vector<512x128xf32>
    %sub3A_148 = arith.subf %get3A_36, %max3A_143 : vector<512x128xf32>
    %exp3A_149 = math.exp %sub3A_148 : vector<512x128xf32>
    %sub3A_150 = arith.subf %get3A_41, %max3A_143 : vector<512x128xf32>
    %exp3A_151 = math.exp %sub3A_150 : vector<512x128xf32>
    %sub3A_152 = arith.subf %get3A_46, %max3A_143 : vector<512x128xf32>
    %exp3A_153 = math.exp %sub3A_152 : vector<512x128xf32>
    %sub3A_154 = arith.subf %get3A_51, %max3A_143 : vector<512x128xf32>
    %exp3A_155 = math.exp %sub3A_154 : vector<512x128xf32>
    %add3A_156 = arith.addf %exp3A_145, %exp3A_153 : vector<512x128xf32>
    %add3A_157 = arith.addf %add3A_156, %exp3A_149 : vector<512x128xf32>
    %add3A_158 = arith.addf %exp3A_147, %exp3A_155 : vector<512x128xf32>
    %add3A_159 = arith.addf %add3A_158, %exp3A_151 : vector<512x128xf32>
    %add3A_160 = arith.addf %add3A_157, %add3A_159 : vector<512x128xf32>
    %div3A_161 = arith.divf %exp3A_145, %add3A_160 : vector<512x128xf32>
    %mul3A_162 = arith.constant 0.920000076 : f32
    %mul3A_163 = vector.broadcast %mul3A_162 : f32 to vector<512x128xf32>
    %mul3A_164 = arith.mulf %div3A_161, %mul3A_163 : vector<512x128xf32>
    %add3A_165 = arith.constant 0.00999999977 : f32
    %add3A_166 = vector.broadcast %add3A_165 : f32 to vector<512x128xf32>
    %add3A_167 = arith.addf %mul3A_164, %add3A_166 : vector<512x128xf32>
    %div3A_168 = arith.divf %exp3A_147, %add3A_160 : vector<512x128xf32>
    %mul3A_169 = arith.constant 0.920000076 : f32
    %mul3A_170 = vector.broadcast %mul3A_169 : f32 to vector<512x128xf32>
    %mul3A_171 = arith.mulf %div3A_168, %mul3A_170 : vector<512x128xf32>
    %add3A_172 = arith.constant 0.00999999977 : f32
    %add3A_173 = vector.broadcast %add3A_172 : f32 to vector<512x128xf32>
    %add3A_174 = arith.addf %mul3A_171, %add3A_173 : vector<512x128xf32>
    %div3A_175 = arith.divf %exp3A_149, %add3A_160 : vector<512x128xf32>
    %mul3A_176 = arith.constant 0.920000076 : f32
    %mul3A_177 = vector.broadcast %mul3A_176 : f32 to vector<512x128xf32>
    %mul3A_178 = arith.mulf %div3A_175, %mul3A_177 : vector<512x128xf32>
    %add3A_179 = arith.constant 0.00999999977 : f32
    %add3A_180 = vector.broadcast %add3A_179 : f32 to vector<512x128xf32>
    %add3A_181 = arith.addf %mul3A_178, %add3A_180 : vector<512x128xf32>
    %div3A_182 = arith.divf %exp3A_151, %add3A_160 : vector<512x128xf32>
    %mul3A_183 = arith.constant 0.920000076 : f32
    %mul3A_184 = vector.broadcast %mul3A_183 : f32 to vector<512x128xf32>
    %mul3A_185 = arith.mulf %div3A_182, %mul3A_184 : vector<512x128xf32>
    %add3A_186 = arith.constant 0.00999999977 : f32
    %add3A_187 = vector.broadcast %add3A_186 : f32 to vector<512x128xf32>
    %add3A_188 = arith.addf %mul3A_185, %add3A_187 : vector<512x128xf32>
    %div3A_189 = arith.divf %exp3A_153, %add3A_160 : vector<512x128xf32>
    %mul3A_190 = arith.constant 0.920000076 : f32
    %mul3A_191 = vector.broadcast %mul3A_190 : f32 to vector<512x128xf32>
    %mul3A_192 = arith.mulf %div3A_189, %mul3A_191 : vector<512x128xf32>
    %add3A_193 = arith.constant 0.00999999977 : f32
    %add3A_194 = vector.broadcast %add3A_193 : f32 to vector<512x128xf32>
    %add3A_195 = arith.addf %mul3A_192, %add3A_194 : vector<512x128xf32>
    %div3A_196 = arith.divf %exp3A_155, %add3A_160 : vector<512x128xf32>
    %mul3A_197 = arith.constant 0.920000076 : f32
    %mul3A_198 = vector.broadcast %mul3A_197 : f32 to vector<512x128xf32>
    %mul3A_199 = arith.mulf %div3A_196, %mul3A_198 : vector<512x128xf32>
    %add3A_200 = arith.constant 0.00999999977 : f32
    %add3A_201 = vector.broadcast %add3A_200 : f32 to vector<512x128xf32>
    %add3A_202 = arith.addf %mul3A_199, %add3A_201 : vector<512x128xf32>
    %add3A_203 = arith.constant 2.000000e-02 : f32
    %add3A_204 = vector.broadcast %add3A_203 : f32 to vector<512x128xf32>
    %add3A_205 = arith.addf %add3A_204, %add3A_167 : vector<512x128xf32>
    %add3A_206 = arith.addf %add3A_205, %add3A_174 : vector<512x128xf32>
    %add3A_207 = arith.addf %add3A_206, %add3A_181 : vector<512x128xf32>
    %add3A_208 = arith.addf %add3A_207, %add3A_188 : vector<512x128xf32>
    %add3A_209 = arith.addf %add3A_208, %add3A_195 : vector<512x128xf32>
    %add3A_210 = arith.addf %add3A_209, %add3A_202 : vector<512x128xf32>
    %add3A_211 = arith.constant 0.00999999977 : f32
    %add3A_212 = vector.broadcast %add3A_211 : f32 to vector<512x128xf32>
    %add3A_213 = arith.addf %add3A_210, %add3A_212 : vector<512x128xf32>
    %add3A_214 = arith.constant 0.00999999977 : f32
    %add3A_215 = vector.broadcast %add3A_214 : f32 to vector<512x128xf32>
    %add3A_216 = arith.addf %add3A_213, %add3A_215 : vector<512x128xf32>
    %sub3A_217 = arith.constant 0.00999999977 : f32
    %sub3A_218 = vector.broadcast %sub3A_217 : f32 to vector<512x128xf32>
    %sub3A_219 = arith.subf %add3A_205, %sub3A_218 : vector<512x128xf32>
    %sub3A_220 = arith.constant 0.00999999977 : f32
    %sub3A_221 = vector.broadcast %sub3A_220 : f32 to vector<512x128xf32>
    %sub3A_222 = arith.subf %add3A_206, %sub3A_221 : vector<512x128xf32>
    %sub3A_223 = arith.constant 0.00999999977 : f32
    %sub3A_224 = vector.broadcast %sub3A_223 : f32 to vector<512x128xf32>
    %sub3A_225 = arith.subf %add3A_207, %sub3A_224 : vector<512x128xf32>
    %sub3A_226 = arith.constant 0.00999999977 : f32
    %sub3A_227 = vector.broadcast %sub3A_226 : f32 to vector<512x128xf32>
    %sub3A_228 = arith.subf %add3A_208, %sub3A_227 : vector<512x128xf32>
    %sub3A_229 = arith.constant 0.00999999977 : f32
    %sub3A_230 = vector.broadcast %sub3A_229 : f32 to vector<512x128xf32>
    %sub3A_231 = arith.subf %add3A_209, %sub3A_230 : vector<512x128xf32>
    %sub3A_232 = arith.constant 0.00999999977 : f32
    %sub3A_233 = vector.broadcast %sub3A_232 : f32 to vector<512x128xf32>
    %sub3A_234 = arith.subf %add3A_210, %sub3A_233 : vector<512x128xf32>
    %sub3A_235 = arith.constant 0.00999999977 : f32
    %sub3A_236 = vector.broadcast %sub3A_235 : f32 to vector<512x128xf32>
    %sub3A_237 = arith.subf %add3A_213, %sub3A_236 : vector<512x128xf32>
    %sub3A_238 = arith.constant 0.00999999977 : f32
    %sub3A_239 = vector.broadcast %sub3A_238 : f32 to vector<512x128xf32>
    %sub3A_240 = arith.subf %add3A_216, %sub3A_239 : vector<512x128xf32>
    %broadcast_in_dim3A_241 = arith.constant -0.00999999977 : f32
    %broadcast_in_dim3A_242 = vector.broadcast %broadcast_in_dim3A_241 : f32 to vector<512x128xf32>
    %broadcast_in_dim3A_243 = arith.constant 0.000000e+00 : f32
    %broadcast_in_dim3A_244 = vector.broadcast %broadcast_in_dim3A_243 : f32 to vector<512x128xf32>
    %broadcast_in_dim3A_245 = arith.constant 0.00999999977 : f32
    %broadcast_in_dim3A_246 = vector.broadcast %broadcast_in_dim3A_245 : f32 to vector<512x128xf32>
    %ge3A = arith.cmpf oge, %get3A_1, %broadcast_in_dim3A_136 : vector<512x128xf32>
    %ge3A_247 = arith.cmpf oge, %get3A_1, %broadcast_in_dim3A_138 : vector<512x128xf32>
    %ge3A_248 = arith.cmpf oge, %get3A_1, %sub3A_108 : vector<512x128xf32>
    %ge3A_249 = arith.cmpf oge, %get3A_1, %sub3A_111 : vector<512x128xf32>
    %ge3A_250 = arith.cmpf oge, %get3A_1, %sub3A_114 : vector<512x128xf32>
    %ge3A_251 = arith.cmpf oge, %get3A_1, %sub3A_117 : vector<512x128xf32>
    %ge3A_252 = arith.cmpf oge, %get3A_1, %sub3A_120 : vector<512x128xf32>
    %select_n3A = arith.select %ge3A, %broadcast_in_dim3A_132, %broadcast_in_dim3A_130 : vector<512x128xi1>, vector<512x128xf32>
    %select_n3A_253 = arith.select %ge3A_248, %broadcast_in_dim3A_136, %broadcast_in_dim3A_134 : vector<512x128xi1>, vector<512x128xf32>
    %select_n3A_254 = arith.select %ge3A_250, %sub3A_108, %broadcast_in_dim3A_138 : vector<512x128xi1>, vector<512x128xf32>
    %select_n3A_255 = arith.select %ge3A_252, %sub3A_114, %sub3A_111 : vector<512x128xi1>, vector<512x128xf32>
    %select_n3A_256 = arith.select %ge3A_247, %select_n3A_253, %select_n3A : vector<512x128xi1>, vector<512x128xf32>
    %select_n3A_257 = arith.select %ge3A_251, %select_n3A_255, %select_n3A_254 : vector<512x128xi1>, vector<512x128xf32>
    %select_n3A_258 = arith.select %ge3A_249, %select_n3A_257, %select_n3A_256 : vector<512x128xi1>, vector<512x128xf32>
    %select_n3A_259 = arith.select %ge3A, %broadcast_in_dim3A_134, %broadcast_in_dim3A_132 : vector<512x128xi1>, vector<512x128xf32>
    %select_n3A_260 = arith.select %ge3A_248, %broadcast_in_dim3A_138, %broadcast_in_dim3A_136 : vector<512x128xi1>, vector<512x128xf32>
    %select_n3A_261 = arith.select %ge3A_250, %sub3A_111, %sub3A_108 : vector<512x128xi1>, vector<512x128xf32>
    %select_n3A_262 = arith.select %ge3A_252, %sub3A_117, %sub3A_114 : vector<512x128xi1>, vector<512x128xf32>
    %select_n3A_263 = arith.select %ge3A_247, %select_n3A_260, %select_n3A_259 : vector<512x128xi1>, vector<512x128xf32>
    %select_n3A_264 = arith.select %ge3A_251, %select_n3A_262, %select_n3A_261 : vector<512x128xi1>, vector<512x128xf32>
    %select_n3A_265 = arith.select %ge3A_249, %select_n3A_264, %select_n3A_263 : vector<512x128xi1>, vector<512x128xf32>
    %select_n3A_266 = arith.select %ge3A, %broadcast_in_dim3A_136, %broadcast_in_dim3A_134 : vector<512x128xi1>, vector<512x128xf32>
    %select_n3A_267 = arith.select %ge3A_248, %sub3A_108, %broadcast_in_dim3A_138 : vector<512x128xi1>, vector<512x128xf32>
    %select_n3A_268 = arith.select %ge3A_250, %sub3A_114, %sub3A_111 : vector<512x128xi1>, vector<512x128xf32>
    %select_n3A_269 = arith.select %ge3A_252, %sub3A_120, %sub3A_117 : vector<512x128xi1>, vector<512x128xf32>
    %select_n3A_270 = arith.select %ge3A_247, %select_n3A_267, %select_n3A_266 : vector<512x128xi1>, vector<512x128xf32>
    %select_n3A_271 = arith.select %ge3A_251, %select_n3A_269, %select_n3A_268 : vector<512x128xi1>, vector<512x128xf32>
    %select_n3A_272 = arith.select %ge3A_249, %select_n3A_271, %select_n3A_270 : vector<512x128xi1>, vector<512x128xf32>
    %select_n3A_273 = arith.select %ge3A, %broadcast_in_dim3A_138, %broadcast_in_dim3A_136 : vector<512x128xi1>, vector<512x128xf32>
    %select_n3A_274 = arith.select %ge3A_248, %sub3A_111, %sub3A_108 : vector<512x128xi1>, vector<512x128xf32>
    %select_n3A_275 = arith.select %ge3A_250, %sub3A_117, %sub3A_114 : vector<512x128xi1>, vector<512x128xf32>
    %select_n3A_276 = arith.select %ge3A_252, %sub3A_123, %sub3A_120 : vector<512x128xi1>, vector<512x128xf32>
    %select_n3A_277 = arith.select %ge3A_247, %select_n3A_274, %select_n3A_273 : vector<512x128xi1>, vector<512x128xf32>
    %select_n3A_278 = arith.select %ge3A_251, %select_n3A_276, %select_n3A_275 : vector<512x128xi1>, vector<512x128xf32>
    %select_n3A_279 = arith.select %ge3A_249, %select_n3A_278, %select_n3A_277 : vector<512x128xi1>, vector<512x128xf32>
    %select_n3A_280 = arith.select %ge3A, %sub3A_108, %broadcast_in_dim3A_138 : vector<512x128xi1>, vector<512x128xf32>
    %select_n3A_281 = arith.select %ge3A_248, %sub3A_114, %sub3A_111 : vector<512x128xi1>, vector<512x128xf32>
    %select_n3A_282 = arith.select %ge3A_250, %sub3A_120, %sub3A_117 : vector<512x128xi1>, vector<512x128xf32>
    %select_n3A_283 = arith.select %ge3A_252, %sub3A_126, %sub3A_123 : vector<512x128xi1>, vector<512x128xf32>
    %select_n3A_284 = arith.select %ge3A_247, %select_n3A_281, %select_n3A_280 : vector<512x128xi1>, vector<512x128xf32>
    %select_n3A_285 = arith.select %ge3A_251, %select_n3A_283, %select_n3A_282 : vector<512x128xi1>, vector<512x128xf32>
    %select_n3A_286 = arith.select %ge3A_249, %select_n3A_285, %select_n3A_284 : vector<512x128xi1>, vector<512x128xf32>
    %select_n3A_287 = arith.select %ge3A, %sub3A_111, %sub3A_108 : vector<512x128xi1>, vector<512x128xf32>
    %select_n3A_288 = arith.select %ge3A_248, %sub3A_117, %sub3A_114 : vector<512x128xi1>, vector<512x128xf32>
    %select_n3A_289 = arith.select %ge3A_250, %sub3A_123, %sub3A_120 : vector<512x128xi1>, vector<512x128xf32>
    %select_n3A_290 = arith.select %ge3A_252, %sub3A_129, %sub3A_126 : vector<512x128xi1>, vector<512x128xf32>
    %select_n3A_291 = arith.select %ge3A_247, %select_n3A_288, %select_n3A_287 : vector<512x128xi1>, vector<512x128xf32>
    %select_n3A_292 = arith.select %ge3A_251, %select_n3A_290, %select_n3A_289 : vector<512x128xi1>, vector<512x128xf32>
    %select_n3A_293 = arith.select %ge3A_249, %select_n3A_292, %select_n3A_291 : vector<512x128xi1>, vector<512x128xf32>
    %select_n3A_294 = arith.select %ge3A, %broadcast_in_dim3A_244, %broadcast_in_dim3A_242 : vector<512x128xi1>, vector<512x128xf32>
    %select_n3A_295 = arith.select %ge3A_248, %sub3A_219, %broadcast_in_dim3A_246 : vector<512x128xi1>, vector<512x128xf32>
    %select_n3A_296 = arith.select %ge3A_250, %sub3A_225, %sub3A_222 : vector<512x128xi1>, vector<512x128xf32>
    %select_n3A_297 = arith.select %ge3A_252, %sub3A_231, %sub3A_228 : vector<512x128xi1>, vector<512x128xf32>
    %select_n3A_298 = arith.select %ge3A_247, %select_n3A_295, %select_n3A_294 : vector<512x128xi1>, vector<512x128xf32>
    %select_n3A_299 = arith.select %ge3A_251, %select_n3A_297, %select_n3A_296 : vector<512x128xi1>, vector<512x128xf32>
    %select_n3A_300 = arith.select %ge3A_249, %select_n3A_299, %select_n3A_298 : vector<512x128xi1>, vector<512x128xf32>
    %select_n3A_301 = arith.select %ge3A, %broadcast_in_dim3A_246, %broadcast_in_dim3A_244 : vector<512x128xi1>, vector<512x128xf32>
    %select_n3A_302 = arith.select %ge3A_248, %sub3A_222, %sub3A_219 : vector<512x128xi1>, vector<512x128xf32>
    %select_n3A_303 = arith.select %ge3A_250, %sub3A_228, %sub3A_225 : vector<512x128xi1>, vector<512x128xf32>
    %select_n3A_304 = arith.select %ge3A_252, %sub3A_234, %sub3A_231 : vector<512x128xi1>, vector<512x128xf32>
    %select_n3A_305 = arith.select %ge3A_247, %select_n3A_302, %select_n3A_301 : vector<512x128xi1>, vector<512x128xf32>
    %select_n3A_306 = arith.select %ge3A_251, %select_n3A_304, %select_n3A_303 : vector<512x128xi1>, vector<512x128xf32>
    %select_n3A_307 = arith.select %ge3A_249, %select_n3A_306, %select_n3A_305 : vector<512x128xi1>, vector<512x128xf32>
    %select_n3A_308 = arith.select %ge3A, %sub3A_219, %broadcast_in_dim3A_246 : vector<512x128xi1>, vector<512x128xf32>
    %select_n3A_309 = arith.select %ge3A_248, %sub3A_225, %sub3A_222 : vector<512x128xi1>, vector<512x128xf32>
    %select_n3A_310 = arith.select %ge3A_250, %sub3A_231, %sub3A_228 : vector<512x128xi1>, vector<512x128xf32>
    %select_n3A_311 = arith.select %ge3A_252, %sub3A_237, %sub3A_234 : vector<512x128xi1>, vector<512x128xf32>
    %select_n3A_312 = arith.select %ge3A_247, %select_n3A_309, %select_n3A_308 : vector<512x128xi1>, vector<512x128xf32>
    %select_n3A_313 = arith.select %ge3A_251, %select_n3A_311, %select_n3A_310 : vector<512x128xi1>, vector<512x128xf32>
    %select_n3A_314 = arith.select %ge3A_249, %select_n3A_313, %select_n3A_312 : vector<512x128xi1>, vector<512x128xf32>
    %select_n3A_315 = arith.select %ge3A, %sub3A_222, %sub3A_219 : vector<512x128xi1>, vector<512x128xf32>
    %select_n3A_316 = arith.select %ge3A_248, %sub3A_228, %sub3A_225 : vector<512x128xi1>, vector<512x128xf32>
    %select_n3A_317 = arith.select %ge3A_250, %sub3A_234, %sub3A_231 : vector<512x128xi1>, vector<512x128xf32>
    %select_n3A_318 = arith.select %ge3A_252, %sub3A_240, %sub3A_237 : vector<512x128xi1>, vector<512x128xf32>
    %select_n3A_319 = arith.select %ge3A_247, %select_n3A_316, %select_n3A_315 : vector<512x128xi1>, vector<512x128xf32>
    %select_n3A_320 = arith.select %ge3A_251, %select_n3A_318, %select_n3A_317 : vector<512x128xi1>, vector<512x128xf32>
    %select_n3A_321 = arith.select %ge3A_249, %select_n3A_320, %select_n3A_319 : vector<512x128xi1>, vector<512x128xf32>
    %sub3A_322 = arith.subf %select_n3A_293, %select_n3A_272 : vector<512x128xf32>
    %sub3A_323 = arith.subf %select_n3A_286, %select_n3A_272 : vector<512x128xf32>
    %mul3A_324 = arith.mulf %sub3A_322, %sub3A_323 : vector<512x128xf32>
    %sub3A_325 = arith.subf %select_n3A_279, %select_n3A_272 : vector<512x128xf32>
    %mul3A_326 = arith.mulf %mul3A_324, %sub3A_325 : vector<512x128xf32>
    %div3A_327 = arith.constant 1.000000e+00 : f32
    %div3A_328 = vector.broadcast %div3A_327 : f32 to vector<512x128xf32>
    %div3A_329 = arith.divf %div3A_328, %mul3A_326 : vector<512x128xf32>
    %mul3A_330 = arith.mulf %select_n3A_321, %div3A_329 : vector<512x128xf32>
    %sub3A_331 = arith.subf %select_n3A_286, %select_n3A_265 : vector<512x128xf32>
    %sub3A_332 = arith.subf %select_n3A_279, %select_n3A_265 : vector<512x128xf32>
    %mul3A_333 = arith.mulf %sub3A_331, %sub3A_332 : vector<512x128xf32>
    %sub3A_334 = arith.subf %select_n3A_279, %select_n3A_272 : vector<512x128xf32>
    %mul3A_335 = arith.mulf %mul3A_333, %sub3A_334 : vector<512x128xf32>
    %div3A_336 = arith.constant -1.000000e+00 : f32
    %div3A_337 = vector.broadcast %div3A_336 : f32 to vector<512x128xf32>
    %div3A_338 = arith.divf %div3A_337, %mul3A_335 : vector<512x128xf32>
    %sub3A_339 = arith.subf %select_n3A_286, %select_n3A_265 : vector<512x128xf32>
    %sub3A_340 = arith.subf %select_n3A_286, %select_n3A_272 : vector<512x128xf32>
    %mul3A_341 = arith.mulf %sub3A_339, %sub3A_340 : vector<512x128xf32>
    %sub3A_342 = arith.subf %select_n3A_279, %select_n3A_272 : vector<512x128xf32>
    %mul3A_343 = arith.mulf %mul3A_341, %sub3A_342 : vector<512x128xf32>
    %div3A_344 = arith.constant 1.000000e+00 : f32
    %div3A_345 = vector.broadcast %div3A_344 : f32 to vector<512x128xf32>
    %div3A_346 = arith.divf %div3A_345, %mul3A_343 : vector<512x128xf32>
    %sub3A_347 = arith.subf %div3A_338, %div3A_346 : vector<512x128xf32>
    %sub3A_348 = arith.subf %select_n3A_293, %select_n3A_272 : vector<512x128xf32>
    %sub3A_349 = arith.subf %select_n3A_286, %select_n3A_272 : vector<512x128xf32>
    %mul3A_350 = arith.mulf %sub3A_348, %sub3A_349 : vector<512x128xf32>
    %sub3A_351 = arith.subf %select_n3A_279, %select_n3A_272 : vector<512x128xf32>
    %mul3A_352 = arith.mulf %mul3A_350, %sub3A_351 : vector<512x128xf32>
    %div3A_353 = arith.constant 1.000000e+00 : f32
    %div3A_354 = vector.broadcast %div3A_353 : f32 to vector<512x128xf32>
    %div3A_355 = arith.divf %div3A_354, %mul3A_352 : vector<512x128xf32>
    %sub3A_356 = arith.subf %sub3A_347, %div3A_355 : vector<512x128xf32>
    %mul3A_357 = arith.mulf %select_n3A_314, %sub3A_356 : vector<512x128xf32>
    %add3A_358 = arith.addf %mul3A_330, %mul3A_357 : vector<512x128xf32>
    %sub3A_359 = arith.subf %select_n3A_279, %select_n3A_272 : vector<512x128xf32>
    %sub3A_360 = arith.subf %select_n3A_279, %select_n3A_258 : vector<512x128xf32>
    %mul3A_361 = arith.mulf %sub3A_359, %sub3A_360 : vector<512x128xf32>
    %sub3A_362 = arith.subf %select_n3A_279, %select_n3A_265 : vector<512x128xf32>
    %mul3A_363 = arith.mulf %mul3A_361, %sub3A_362 : vector<512x128xf32>
    %div3A_364 = arith.constant 1.000000e+00 : f32
    %div3A_365 = vector.broadcast %div3A_364 : f32 to vector<512x128xf32>
    %div3A_366 = arith.divf %div3A_365, %mul3A_363 : vector<512x128xf32>
    %sub3A_367 = arith.subf %select_n3A_279, %select_n3A_272 : vector<512x128xf32>
    %sub3A_368 = arith.subf %select_n3A_286, %select_n3A_272 : vector<512x128xf32>
    %mul3A_369 = arith.mulf %sub3A_367, %sub3A_368 : vector<512x128xf32>
    %sub3A_370 = arith.subf %select_n3A_286, %select_n3A_265 : vector<512x128xf32>
    %mul3A_371 = arith.mulf %mul3A_369, %sub3A_370 : vector<512x128xf32>
    %div3A_372 = arith.constant 1.000000e+00 : f32
    %div3A_373 = vector.broadcast %div3A_372 : f32 to vector<512x128xf32>
    %div3A_374 = arith.divf %div3A_373, %mul3A_371 : vector<512x128xf32>
    %add3A_375 = arith.addf %div3A_366, %div3A_374 : vector<512x128xf32>
    %sub3A_376 = arith.subf %select_n3A_279, %select_n3A_272 : vector<512x128xf32>
    %sub3A_377 = arith.subf %select_n3A_279, %select_n3A_265 : vector<512x128xf32>
    %mul3A_378 = arith.mulf %sub3A_376, %sub3A_377 : vector<512x128xf32>
    %sub3A_379 = arith.subf %select_n3A_286, %select_n3A_265 : vector<512x128xf32>
    %mul3A_380 = arith.mulf %mul3A_378, %sub3A_379 : vector<512x128xf32>
    %div3A_381 = arith.constant 1.000000e+00 : f32
    %div3A_382 = vector.broadcast %div3A_381 : f32 to vector<512x128xf32>
    %div3A_383 = arith.divf %div3A_382, %mul3A_380 : vector<512x128xf32>
    %add3A_384 = arith.addf %add3A_375, %div3A_383 : vector<512x128xf32>
    %mul3A_385 = arith.mulf %select_n3A_307, %add3A_384 : vector<512x128xf32>
    %add3A_386 = arith.addf %add3A_358, %mul3A_385 : vector<512x128xf32>
    %sub3A_387 = arith.subf %select_n3A_279, %select_n3A_258 : vector<512x128xf32>
    %sub3A_388 = arith.subf %select_n3A_279, %select_n3A_265 : vector<512x128xf32>
    %mul3A_389 = arith.mulf %sub3A_387, %sub3A_388 : vector<512x128xf32>
    %sub3A_390 = arith.subf %select_n3A_279, %select_n3A_272 : vector<512x128xf32>
    %mul3A_391 = arith.mulf %mul3A_389, %sub3A_390 : vector<512x128xf32>
    %div3A_392 = arith.constant -1.000000e+00 : f32
    %div3A_393 = vector.broadcast %div3A_392 : f32 to vector<512x128xf32>
    %div3A_394 = arith.divf %div3A_393, %mul3A_391 : vector<512x128xf32>
    %mul3A_395 = arith.mulf %select_n3A_300, %div3A_394 : vector<512x128xf32>
    %add3A_396 = arith.addf %add3A_386, %mul3A_395 : vector<512x128xf32>
    %mul3A_397 = arith.constant -3.000000e+00 : f32
    %mul3A_398 = vector.broadcast %mul3A_397 : f32 to vector<512x128xf32>
    %mul3A_399 = arith.mulf %mul3A_398, %select_n3A_272 : vector<512x128xf32>
    %sub3A_400 = arith.subf %select_n3A_293, %select_n3A_272 : vector<512x128xf32>
    %sub3A_401 = arith.subf %select_n3A_286, %select_n3A_272 : vector<512x128xf32>
    %mul3A_402 = arith.mulf %sub3A_400, %sub3A_401 : vector<512x128xf32>
    %sub3A_403 = arith.subf %select_n3A_279, %select_n3A_272 : vector<512x128xf32>
    %mul3A_404 = arith.mulf %mul3A_402, %sub3A_403 : vector<512x128xf32>
    %div3A_405 = arith.divf %mul3A_399, %mul3A_404 : vector<512x128xf32>
    %mul3A_406 = arith.mulf %select_n3A_321, %div3A_405 : vector<512x128xf32>
    %mul3A_407 = arith.constant 2.000000e+00 : f32
    %mul3A_408 = vector.broadcast %mul3A_407 : f32 to vector<512x128xf32>
    %mul3A_409 = arith.mulf %mul3A_408, %select_n3A_265 : vector<512x128xf32>
    %add3A_410 = arith.addf %mul3A_409, %select_n3A_279 : vector<512x128xf32>
    %sub3A_411 = arith.subf %select_n3A_286, %select_n3A_265 : vector<512x128xf32>
    %sub3A_412 = arith.subf %select_n3A_279, %select_n3A_265 : vector<512x128xf32>
    %mul3A_413 = arith.mulf %sub3A_411, %sub3A_412 : vector<512x128xf32>
    %sub3A_414 = arith.subf %select_n3A_279, %select_n3A_272 : vector<512x128xf32>
    %mul3A_415 = arith.mulf %mul3A_413, %sub3A_414 : vector<512x128xf32>
    %div3A_416 = arith.divf %add3A_410, %mul3A_415 : vector<512x128xf32>
    %add3A_417 = arith.addf %select_n3A_265, %select_n3A_286 : vector<512x128xf32>
    %add3A_418 = arith.addf %add3A_417, %select_n3A_272 : vector<512x128xf32>
    %sub3A_419 = arith.subf %select_n3A_286, %select_n3A_265 : vector<512x128xf32>
    %sub3A_420 = arith.subf %select_n3A_286, %select_n3A_272 : vector<512x128xf32>
    %mul3A_421 = arith.mulf %sub3A_419, %sub3A_420 : vector<512x128xf32>
    %sub3A_422 = arith.subf %select_n3A_279, %select_n3A_272 : vector<512x128xf32>
    %mul3A_423 = arith.mulf %mul3A_421, %sub3A_422 : vector<512x128xf32>
    %div3A_424 = arith.divf %add3A_418, %mul3A_423 : vector<512x128xf32>
    %add3A_425 = arith.addf %div3A_416, %div3A_424 : vector<512x128xf32>
    %mul3A_426 = arith.constant 2.000000e+00 : f32
    %mul3A_427 = vector.broadcast %mul3A_426 : f32 to vector<512x128xf32>
    %mul3A_428 = arith.mulf %mul3A_427, %select_n3A_272 : vector<512x128xf32>
    %add3A_429 = arith.addf %select_n3A_293, %mul3A_428 : vector<512x128xf32>
    %sub3A_430 = arith.subf %select_n3A_293, %select_n3A_272 : vector<512x128xf32>
    %sub3A_431 = arith.subf %select_n3A_286, %select_n3A_272 : vector<512x128xf32>
    %mul3A_432 = arith.mulf %sub3A_430, %sub3A_431 : vector<512x128xf32>
    %sub3A_433 = arith.subf %select_n3A_279, %select_n3A_272 : vector<512x128xf32>
    %mul3A_434 = arith.mulf %mul3A_432, %sub3A_433 : vector<512x128xf32>
    %div3A_435 = arith.divf %add3A_429, %mul3A_434 : vector<512x128xf32>
    %add3A_436 = arith.addf %add3A_425, %div3A_435 : vector<512x128xf32>
    %mul3A_437 = arith.mulf %select_n3A_314, %add3A_436 : vector<512x128xf32>
    %add3A_438 = arith.addf %mul3A_406, %mul3A_437 : vector<512x128xf32>
    %mul3A_439 = arith.constant -2.000000e+00 : f32
    %mul3A_440 = vector.broadcast %mul3A_439 : f32 to vector<512x128xf32>
    %mul3A_441 = arith.mulf %mul3A_440, %select_n3A_279 : vector<512x128xf32>
    %sub3A_442 = arith.subf %mul3A_441, %select_n3A_258 : vector<512x128xf32>
    %sub3A_443 = arith.subf %select_n3A_279, %select_n3A_272 : vector<512x128xf32>
    %sub3A_444 = arith.subf %select_n3A_279, %select_n3A_258 : vector<512x128xf32>
    %mul3A_445 = arith.mulf %sub3A_443, %sub3A_444 : vector<512x128xf32>
    %sub3A_446 = arith.subf %select_n3A_279, %select_n3A_265 : vector<512x128xf32>
    %mul3A_447 = arith.mulf %mul3A_445, %sub3A_446 : vector<512x128xf32>
    %div3A_448 = arith.divf %sub3A_442, %mul3A_447 : vector<512x128xf32>
    %mul3A_449 = arith.constant -2.000000e+00 : f32
    %mul3A_450 = vector.broadcast %mul3A_449 : f32 to vector<512x128xf32>
    %mul3A_451 = arith.mulf %mul3A_450, %select_n3A_286 : vector<512x128xf32>
    %sub3A_452 = arith.subf %mul3A_451, %select_n3A_272 : vector<512x128xf32>
    %sub3A_453 = arith.subf %select_n3A_279, %select_n3A_272 : vector<512x128xf32>
    %sub3A_454 = arith.subf %select_n3A_286, %select_n3A_272 : vector<512x128xf32>
    %mul3A_455 = arith.mulf %sub3A_453, %sub3A_454 : vector<512x128xf32>
    %sub3A_456 = arith.subf %select_n3A_286, %select_n3A_265 : vector<512x128xf32>
    %mul3A_457 = arith.mulf %mul3A_455, %sub3A_456 : vector<512x128xf32>
    %div3A_458 = arith.divf %sub3A_452, %mul3A_457 : vector<512x128xf32>
    %add3A_459 = arith.addf %div3A_448, %div3A_458 : vector<512x128xf32>
    %neg3A = arith.constant 0.000000e+00 : f32
    %neg3A_460 = vector.broadcast %neg3A : f32 to vector<512x128xf32>
    %neg3A_461 = arith.subf %neg3A_460, %select_n3A_286 : vector<512x128xf32>
    %sub3A_462 = arith.subf %neg3A_461, %select_n3A_279 : vector<512x128xf32>
    %sub3A_463 = arith.subf %sub3A_462, %select_n3A_265 : vector<512x128xf32>
    %sub3A_464 = arith.subf %select_n3A_279, %select_n3A_272 : vector<512x128xf32>
    %sub3A_465 = arith.subf %select_n3A_279, %select_n3A_265 : vector<512x128xf32>
    %mul3A_466 = arith.mulf %sub3A_464, %sub3A_465 : vector<512x128xf32>
    %sub3A_467 = arith.subf %select_n3A_286, %select_n3A_265 : vector<512x128xf32>
    %mul3A_468 = arith.mulf %mul3A_466, %sub3A_467 : vector<512x128xf32>
    %div3A_469 = arith.divf %sub3A_463, %mul3A_468 : vector<512x128xf32>
    %add3A_470 = arith.addf %add3A_459, %div3A_469 : vector<512x128xf32>
    %mul3A_471 = arith.mulf %select_n3A_307, %add3A_470 : vector<512x128xf32>
    %add3A_472 = arith.addf %add3A_438, %mul3A_471 : vector<512x128xf32>
    %mul3A_473 = arith.constant 3.000000e+00 : f32
    %mul3A_474 = vector.broadcast %mul3A_473 : f32 to vector<512x128xf32>
    %mul3A_475 = arith.mulf %mul3A_474, %select_n3A_279 : vector<512x128xf32>
    %sub3A_476 = arith.subf %select_n3A_279, %select_n3A_258 : vector<512x128xf32>
    %sub3A_477 = arith.subf %select_n3A_279, %select_n3A_265 : vector<512x128xf32>
    %mul3A_478 = arith.mulf %sub3A_476, %sub3A_477 : vector<512x128xf32>
    %sub3A_479 = arith.subf %select_n3A_279, %select_n3A_272 : vector<512x128xf32>
    %mul3A_480 = arith.mulf %mul3A_478, %sub3A_479 : vector<512x128xf32>
    %div3A_481 = arith.divf %mul3A_475, %mul3A_480 : vector<512x128xf32>
    %mul3A_482 = arith.mulf %select_n3A_300, %div3A_481 : vector<512x128xf32>
    %add3A_483 = arith.addf %add3A_472, %mul3A_482 : vector<512x128xf32>
    %mul3A_484 = arith.constant 3.000000e+00 : f32
    %mul3A_485 = vector.broadcast %mul3A_484 : f32 to vector<512x128xf32>
    %mul3A_486 = arith.mulf %mul3A_485, %select_n3A_272 : vector<512x128xf32>
    %mul3A_487 = arith.mulf %mul3A_486, %select_n3A_272 : vector<512x128xf32>
    %sub3A_488 = arith.subf %select_n3A_293, %select_n3A_272 : vector<512x128xf32>
    %sub3A_489 = arith.subf %select_n3A_286, %select_n3A_272 : vector<512x128xf32>
    %mul3A_490 = arith.mulf %sub3A_488, %sub3A_489 : vector<512x128xf32>
    %sub3A_491 = arith.subf %select_n3A_279, %select_n3A_272 : vector<512x128xf32>
    %mul3A_492 = arith.mulf %mul3A_490, %sub3A_491 : vector<512x128xf32>
    %div3A_493 = arith.divf %mul3A_487, %mul3A_492 : vector<512x128xf32>
    %mul3A_494 = arith.mulf %select_n3A_321, %div3A_493 : vector<512x128xf32>
    %neg3A_495 = arith.constant 0.000000e+00 : f32
    %neg3A_496 = vector.broadcast %neg3A_495 : f32 to vector<512x128xf32>
    %neg3A_497 = arith.subf %neg3A_496, %select_n3A_265 : vector<512x128xf32>
    %mul3A_498 = arith.mulf %neg3A_497, %select_n3A_265 : vector<512x128xf32>
    %mul3A_499 = arith.constant 2.000000e+00 : f32
    %mul3A_500 = vector.broadcast %mul3A_499 : f32 to vector<512x128xf32>
    %mul3A_501 = arith.mulf %mul3A_500, %select_n3A_265 : vector<512x128xf32>
    %mul3A_502 = arith.mulf %mul3A_501, %select_n3A_279 : vector<512x128xf32>
    %sub3A_503 = arith.subf %mul3A_498, %mul3A_502 : vector<512x128xf32>
    %sub3A_504 = arith.subf %select_n3A_286, %select_n3A_265 : vector<512x128xf32>
    %sub3A_505 = arith.subf %select_n3A_279, %select_n3A_265 : vector<512x128xf32>
    %mul3A_506 = arith.mulf %sub3A_504, %sub3A_505 : vector<512x128xf32>
    %sub3A_507 = arith.subf %select_n3A_279, %select_n3A_272 : vector<512x128xf32>
    %mul3A_508 = arith.mulf %mul3A_506, %sub3A_507 : vector<512x128xf32>
    %div3A_509 = arith.divf %sub3A_503, %mul3A_508 : vector<512x128xf32>
    %neg3A_510 = arith.constant 0.000000e+00 : f32
    %neg3A_511 = vector.broadcast %neg3A_510 : f32 to vector<512x128xf32>
    %neg3A_512 = arith.subf %neg3A_511, %select_n3A_265 : vector<512x128xf32>
    %mul3A_513 = arith.mulf %neg3A_512, %select_n3A_286 : vector<512x128xf32>
    %mul3A_514 = arith.mulf %select_n3A_265, %select_n3A_272 : vector<512x128xf32>
    %sub3A_515 = arith.subf %mul3A_513, %mul3A_514 : vector<512x128xf32>
    %mul3A_516 = arith.mulf %select_n3A_286, %select_n3A_272 : vector<512x128xf32>
    %sub3A_517 = arith.subf %sub3A_515, %mul3A_516 : vector<512x128xf32>
    %sub3A_518 = arith.subf %select_n3A_286, %select_n3A_265 : vector<512x128xf32>
    %sub3A_519 = arith.subf %select_n3A_286, %select_n3A_272 : vector<512x128xf32>
    %mul3A_520 = arith.mulf %sub3A_518, %sub3A_519 : vector<512x128xf32>
    %sub3A_521 = arith.subf %select_n3A_279, %select_n3A_272 : vector<512x128xf32>
    %mul3A_522 = arith.mulf %mul3A_520, %sub3A_521 : vector<512x128xf32>
    %div3A_523 = arith.divf %sub3A_517, %mul3A_522 : vector<512x128xf32>
    %add3A_524 = arith.addf %div3A_509, %div3A_523 : vector<512x128xf32>
    %neg3A_525 = arith.constant 0.000000e+00 : f32
    %neg3A_526 = vector.broadcast %neg3A_525 : f32 to vector<512x128xf32>
    %neg3A_527 = arith.subf %neg3A_526, %select_n3A_272 : vector<512x128xf32>
    %mul3A_528 = arith.mulf %neg3A_527, %select_n3A_272 : vector<512x128xf32>
    %mul3A_529 = arith.constant 2.000000e+00 : f32
    %mul3A_530 = vector.broadcast %mul3A_529 : f32 to vector<512x128xf32>
    %mul3A_531 = arith.mulf %mul3A_530, %select_n3A_293 : vector<512x128xf32>
    %mul3A_532 = arith.mulf %mul3A_531, %select_n3A_272 : vector<512x128xf32>
    %sub3A_533 = arith.subf %mul3A_528, %mul3A_532 : vector<512x128xf32>
    %sub3A_534 = arith.subf %select_n3A_293, %select_n3A_272 : vector<512x128xf32>
    %sub3A_535 = arith.subf %select_n3A_286, %select_n3A_272 : vector<512x128xf32>
    %mul3A_536 = arith.mulf %sub3A_534, %sub3A_535 : vector<512x128xf32>
    %sub3A_537 = arith.subf %select_n3A_279, %select_n3A_272 : vector<512x128xf32>
    %mul3A_538 = arith.mulf %mul3A_536, %sub3A_537 : vector<512x128xf32>
    %div3A_539 = arith.divf %sub3A_533, %mul3A_538 : vector<512x128xf32>
    %add3A_540 = arith.addf %add3A_524, %div3A_539 : vector<512x128xf32>
    %mul3A_541 = arith.mulf %select_n3A_314, %add3A_540 : vector<512x128xf32>
    %add3A_542 = arith.addf %mul3A_494, %mul3A_541 : vector<512x128xf32>
    %mul3A_543 = arith.mulf %select_n3A_279, %select_n3A_279 : vector<512x128xf32>
    %mul3A_544 = arith.constant 2.000000e+00 : f32
    %mul3A_545 = vector.broadcast %mul3A_544 : f32 to vector<512x128xf32>
    %mul3A_546 = arith.mulf %mul3A_545, %select_n3A_279 : vector<512x128xf32>
    %mul3A_547 = arith.mulf %mul3A_546, %select_n3A_258 : vector<512x128xf32>
    %add3A_548 = arith.addf %mul3A_543, %mul3A_547 : vector<512x128xf32>
    %sub3A_549 = arith.subf %select_n3A_279, %select_n3A_272 : vector<512x128xf32>
    %sub3A_550 = arith.subf %select_n3A_279, %select_n3A_258 : vector<512x128xf32>
    %mul3A_551 = arith.mulf %sub3A_549, %sub3A_550 : vector<512x128xf32>
    %sub3A_552 = arith.subf %select_n3A_279, %select_n3A_265 : vector<512x128xf32>
    %mul3A_553 = arith.mulf %mul3A_551, %sub3A_552 : vector<512x128xf32>
    %div3A_554 = arith.divf %add3A_548, %mul3A_553 : vector<512x128xf32>
    %mul3A_555 = arith.constant 2.000000e+00 : f32
    %mul3A_556 = vector.broadcast %mul3A_555 : f32 to vector<512x128xf32>
    %mul3A_557 = arith.mulf %mul3A_556, %select_n3A_272 : vector<512x128xf32>
    %add3A_558 = arith.addf %select_n3A_286, %mul3A_557 : vector<512x128xf32>
    %mul3A_559 = arith.mulf %add3A_558, %select_n3A_286 : vector<512x128xf32>
    %sub3A_560 = arith.subf %select_n3A_279, %select_n3A_272 : vector<512x128xf32>
    %sub3A_561 = arith.subf %select_n3A_286, %select_n3A_272 : vector<512x128xf32>
    %mul3A_562 = arith.mulf %sub3A_560, %sub3A_561 : vector<512x128xf32>
    %sub3A_563 = arith.subf %select_n3A_286, %select_n3A_265 : vector<512x128xf32>
    %mul3A_564 = arith.mulf %mul3A_562, %sub3A_563 : vector<512x128xf32>
    %div3A_565 = arith.divf %mul3A_559, %mul3A_564 : vector<512x128xf32>
    %add3A_566 = arith.addf %div3A_554, %div3A_565 : vector<512x128xf32>
    %add3A_567 = arith.addf %select_n3A_265, %select_n3A_286 : vector<512x128xf32>
    %mul3A_568 = arith.mulf %add3A_567, %select_n3A_279 : vector<512x128xf32>
    %mul3A_569 = arith.mulf %select_n3A_286, %select_n3A_265 : vector<512x128xf32>
    %add3A_570 = arith.addf %mul3A_568, %mul3A_569 : vector<512x128xf32>
    %sub3A_571 = arith.subf %select_n3A_279, %select_n3A_272 : vector<512x128xf32>
    %sub3A_572 = arith.subf %select_n3A_279, %select_n3A_265 : vector<512x128xf32>
    %mul3A_573 = arith.mulf %sub3A_571, %sub3A_572 : vector<512x128xf32>
    %sub3A_574 = arith.subf %select_n3A_286, %select_n3A_265 : vector<512x128xf32>
    %mul3A_575 = arith.mulf %mul3A_573, %sub3A_574 : vector<512x128xf32>
    %div3A_576 = arith.divf %add3A_570, %mul3A_575 : vector<512x128xf32>
    %add3A_577 = arith.addf %add3A_566, %div3A_576 : vector<512x128xf32>
    %mul3A_578 = arith.mulf %select_n3A_307, %add3A_577 : vector<512x128xf32>
    %add3A_579 = arith.addf %add3A_542, %mul3A_578 : vector<512x128xf32>
    %mul3A_580 = arith.constant -3.000000e+00 : f32
    %mul3A_581 = vector.broadcast %mul3A_580 : f32 to vector<512x128xf32>
    %mul3A_582 = arith.mulf %mul3A_581, %select_n3A_279 : vector<512x128xf32>
    %mul3A_583 = arith.mulf %mul3A_582, %select_n3A_279 : vector<512x128xf32>
    %sub3A_584 = arith.subf %select_n3A_279, %select_n3A_258 : vector<512x128xf32>
    %sub3A_585 = arith.subf %select_n3A_279, %select_n3A_265 : vector<512x128xf32>
    %mul3A_586 = arith.mulf %sub3A_584, %sub3A_585 : vector<512x128xf32>
    %sub3A_587 = arith.subf %select_n3A_279, %select_n3A_272 : vector<512x128xf32>
    %mul3A_588 = arith.mulf %mul3A_586, %sub3A_587 : vector<512x128xf32>
    %div3A_589 = arith.divf %mul3A_583, %mul3A_588 : vector<512x128xf32>
    %mul3A_590 = arith.mulf %select_n3A_300, %div3A_589 : vector<512x128xf32>
    %add3A_591 = arith.addf %add3A_579, %mul3A_590 : vector<512x128xf32>
    %neg3A_592 = arith.constant 0.000000e+00 : f32
    %neg3A_593 = vector.broadcast %neg3A_592 : f32 to vector<512x128xf32>
    %neg3A_594 = arith.subf %neg3A_593, %select_n3A_272 : vector<512x128xf32>
    %mul3A_595 = arith.mulf %neg3A_594, %select_n3A_272 : vector<512x128xf32>
    %mul3A_596 = arith.mulf %mul3A_595, %select_n3A_272 : vector<512x128xf32>
    %sub3A_597 = arith.subf %select_n3A_293, %select_n3A_272 : vector<512x128xf32>
    %sub3A_598 = arith.subf %select_n3A_286, %select_n3A_272 : vector<512x128xf32>
    %mul3A_599 = arith.mulf %sub3A_597, %sub3A_598 : vector<512x128xf32>
    %sub3A_600 = arith.subf %select_n3A_279, %select_n3A_272 : vector<512x128xf32>
    %mul3A_601 = arith.mulf %mul3A_599, %sub3A_600 : vector<512x128xf32>
    %div3A_602 = arith.divf %mul3A_596, %mul3A_601 : vector<512x128xf32>
    %mul3A_603 = arith.mulf %select_n3A_321, %div3A_602 : vector<512x128xf32>
    %mul3A_604 = arith.mulf %select_n3A_265, %select_n3A_265 : vector<512x128xf32>
    %mul3A_605 = arith.mulf %mul3A_604, %select_n3A_279 : vector<512x128xf32>
    %sub3A_606 = arith.subf %select_n3A_286, %select_n3A_265 : vector<512x128xf32>
    %sub3A_607 = arith.subf %select_n3A_279, %select_n3A_265 : vector<512x128xf32>
    %mul3A_608 = arith.mulf %sub3A_606, %sub3A_607 : vector<512x128xf32>
    %sub3A_609 = arith.subf %select_n3A_279, %select_n3A_272 : vector<512x128xf32>
    %mul3A_610 = arith.mulf %mul3A_608, %sub3A_609 : vector<512x128xf32>
    %div3A_611 = arith.divf %mul3A_605, %mul3A_610 : vector<512x128xf32>
    %mul3A_612 = arith.mulf %select_n3A_265, %select_n3A_286 : vector<512x128xf32>
    %mul3A_613 = arith.mulf %mul3A_612, %select_n3A_272 : vector<512x128xf32>
    %sub3A_614 = arith.subf %select_n3A_286, %select_n3A_265 : vector<512x128xf32>
    %sub3A_615 = arith.subf %select_n3A_286, %select_n3A_272 : vector<512x128xf32>
    %mul3A_616 = arith.mulf %sub3A_614, %sub3A_615 : vector<512x128xf32>
    %sub3A_617 = arith.subf %select_n3A_279, %select_n3A_272 : vector<512x128xf32>
    %mul3A_618 = arith.mulf %mul3A_616, %sub3A_617 : vector<512x128xf32>
    %div3A_619 = arith.divf %mul3A_613, %mul3A_618 : vector<512x128xf32>
    %add3A_620 = arith.addf %div3A_611, %div3A_619 : vector<512x128xf32>
    %mul3A_621 = arith.mulf %select_n3A_293, %select_n3A_272 : vector<512x128xf32>
    %mul3A_622 = arith.mulf %mul3A_621, %select_n3A_272 : vector<512x128xf32>
    %sub3A_623 = arith.subf %select_n3A_293, %select_n3A_272 : vector<512x128xf32>
    %sub3A_624 = arith.subf %select_n3A_286, %select_n3A_272 : vector<512x128xf32>
    %mul3A_625 = arith.mulf %sub3A_623, %sub3A_624 : vector<512x128xf32>
    %sub3A_626 = arith.subf %select_n3A_279, %select_n3A_272 : vector<512x128xf32>
    %mul3A_627 = arith.mulf %mul3A_625, %sub3A_626 : vector<512x128xf32>
    %div3A_628 = arith.divf %mul3A_622, %mul3A_627 : vector<512x128xf32>
    %add3A_629 = arith.addf %add3A_620, %div3A_628 : vector<512x128xf32>
    %mul3A_630 = arith.mulf %select_n3A_314, %add3A_629 : vector<512x128xf32>
    %add3A_631 = arith.addf %mul3A_603, %mul3A_630 : vector<512x128xf32>
    %mul3A_632 = arith.mulf %select_n3A_279, %select_n3A_279 : vector<512x128xf32>
    %mul3A_633 = arith.mulf %mul3A_632, %select_n3A_258 : vector<512x128xf32>
    %neg3A_634 = arith.constant 0.000000e+00 : f32
    %neg3A_635 = vector.broadcast %neg3A_634 : f32 to vector<512x128xf32>
    %neg3A_636 = arith.subf %neg3A_635, %mul3A_633 : vector<512x128xf32>
    %sub3A_637 = arith.subf %select_n3A_279, %select_n3A_272 : vector<512x128xf32>
    %sub3A_638 = arith.subf %select_n3A_279, %select_n3A_258 : vector<512x128xf32>
    %mul3A_639 = arith.mulf %sub3A_637, %sub3A_638 : vector<512x128xf32>
    %sub3A_640 = arith.subf %select_n3A_279, %select_n3A_265 : vector<512x128xf32>
    %mul3A_641 = arith.mulf %mul3A_639, %sub3A_640 : vector<512x128xf32>
    %div3A_642 = arith.divf %neg3A_636, %mul3A_641 : vector<512x128xf32>
    %mul3A_643 = arith.mulf %select_n3A_272, %select_n3A_286 : vector<512x128xf32>
    %mul3A_644 = arith.mulf %mul3A_643, %select_n3A_286 : vector<512x128xf32>
    %sub3A_645 = arith.subf %select_n3A_279, %select_n3A_272 : vector<512x128xf32>
    %sub3A_646 = arith.subf %select_n3A_286, %select_n3A_272 : vector<512x128xf32>
    %mul3A_647 = arith.mulf %sub3A_645, %sub3A_646 : vector<512x128xf32>
    %sub3A_648 = arith.subf %select_n3A_286, %select_n3A_265 : vector<512x128xf32>
    %mul3A_649 = arith.mulf %mul3A_647, %sub3A_648 : vector<512x128xf32>
    %div3A_650 = arith.divf %mul3A_644, %mul3A_649 : vector<512x128xf32>
    %sub3A_651 = arith.subf %div3A_642, %div3A_650 : vector<512x128xf32>
    %mul3A_652 = arith.mulf %select_n3A_286, %select_n3A_265 : vector<512x128xf32>
    %mul3A_653 = arith.mulf %mul3A_652, %select_n3A_279 : vector<512x128xf32>
    %sub3A_654 = arith.subf %select_n3A_279, %select_n3A_272 : vector<512x128xf32>
    %sub3A_655 = arith.subf %select_n3A_279, %select_n3A_265 : vector<512x128xf32>
    %mul3A_656 = arith.mulf %sub3A_654, %sub3A_655 : vector<512x128xf32>
    %sub3A_657 = arith.subf %select_n3A_286, %select_n3A_265 : vector<512x128xf32>
    %mul3A_658 = arith.mulf %mul3A_656, %sub3A_657 : vector<512x128xf32>
    %div3A_659 = arith.divf %mul3A_653, %mul3A_658 : vector<512x128xf32>
    %sub3A_660 = arith.subf %sub3A_651, %div3A_659 : vector<512x128xf32>
    %mul3A_661 = arith.mulf %select_n3A_307, %sub3A_660 : vector<512x128xf32>
    %add3A_662 = arith.addf %add3A_631, %mul3A_661 : vector<512x128xf32>
    %mul3A_663 = arith.mulf %select_n3A_279, %select_n3A_279 : vector<512x128xf32>
    %mul3A_664 = arith.mulf %mul3A_663, %select_n3A_279 : vector<512x128xf32>
    %sub3A_665 = arith.subf %select_n3A_279, %select_n3A_258 : vector<512x128xf32>
    %sub3A_666 = arith.subf %select_n3A_279, %select_n3A_265 : vector<512x128xf32>
    %mul3A_667 = arith.mulf %sub3A_665, %sub3A_666 : vector<512x128xf32>
    %sub3A_668 = arith.subf %select_n3A_279, %select_n3A_272 : vector<512x128xf32>
    %mul3A_669 = arith.mulf %mul3A_667, %sub3A_668 : vector<512x128xf32>
    %div3A_670 = arith.divf %mul3A_664, %mul3A_669 : vector<512x128xf32>
    %mul3A_671 = arith.mulf %select_n3A_300, %div3A_670 : vector<512x128xf32>
    %add3A_672 = arith.addf %add3A_662, %mul3A_671 : vector<512x128xf32>
    %mul3A_673 = arith.mulf %add3A_396, %get3A_1 : vector<512x128xf32>
    %add3A_674 = arith.addf %mul3A_673, %add3A_483 : vector<512x128xf32>
    %mul3A_675 = arith.mulf %add3A_674, %get3A_1 : vector<512x128xf32>
    %add3A_676 = arith.addf %mul3A_675, %add3A_591 : vector<512x128xf32>
    %mul3A_677 = arith.mulf %add3A_676, %get3A_1 : vector<512x128xf32>
    %add3A_678 = arith.addf %mul3A_677, %add3A_672 : vector<512x128xf32>
    %mul3A_679 = arith.constant 3.000000e+00 : f32
    %mul3A_680 = vector.broadcast %mul3A_679 : f32 to vector<512x128xf32>
    %mul3A_681 = arith.mulf %mul3A_680, %add3A_396 : vector<512x128xf32>
    %mul3A_682 = arith.mulf %mul3A_681, %get3A_1 : vector<512x128xf32>
    %mul3A_683 = arith.constant 2.000000e+00 : f32
    %mul3A_684 = vector.broadcast %mul3A_683 : f32 to vector<512x128xf32>
    %mul3A_685 = arith.mulf %mul3A_684, %add3A_483 : vector<512x128xf32>
    %add3A_686 = arith.addf %mul3A_682, %mul3A_685 : vector<512x128xf32>
    %mul3A_687 = arith.mulf %add3A_686, %get3A_1 : vector<512x128xf32>
    %add3A_688 = arith.addf %mul3A_687, %add3A_591 : vector<512x128xf32>
    %abs3A = math.absf %add3A_688 : vector<512x128xf32>
    %add3A_689 = arith.constant 9.99999996E-13 : f32
    %add3A_690 = vector.broadcast %add3A_689 : f32 to vector<512x128xf32>
    %add3A_691 = arith.addf %abs3A, %add3A_690 : vector<512x128xf32>
    %log3A = math.log %add3A_691 : vector<512x128xf32>
    %gt3A = arith.constant 0.000000e+00 : f32
    %gt3A_692 = vector.broadcast %gt3A : f32 to vector<512x128xf32>
    %gt3A_693 = arith.cmpf ogt, %get3A_1, %gt3A_692 : vector<512x128xf32>
    %lt3A = arith.constant 1.000000e+00 : f32
    %lt3A_694 = vector.broadcast %lt3A : f32 to vector<512x128xf32>
    %lt3A_695 = arith.cmpf olt, %get3A_1, %lt3A_694 : vector<512x128xf32>
    %and3A = arith.andi %gt3A_693, %lt3A_695 : vector<512x128xi1>
    %select_n3A_696 = arith.select %and3A, %add3A_678, %get3A_1 : vector<512x128xi1>, vector<512x128xf32>
    %jit3A = arith.constant 0.000000e+00 : f32
    %broadcast_in_dim3A_697 = vector.broadcast %jit3A : f32 to vector<512x128xf32>
    %select_n3A_698 = arith.select %and3A, %log3A, %broadcast_in_dim3A_697 : vector<512x128xi1>, vector<512x128xf32>
    %swap3A = arith.constant 0 : index
    %swap3A_699 = arith.constant 0 : index
    %swap3A_700 = vector.load %arg4[%swap3A, %swap3A_699] : memref<512x128xf32, #tpu.memory_space<vmem>>, vector<512x128xf32>
    tpu.vector_store %arg4[%swap3A, %swap3A_699], %select_n3A_696 {strides = array<i32>} : memref<512x128xf32, #tpu.memory_space<vmem>>, vector<512x128xf32>,
    %swap3A_701 = arith.constant 0 : index
    %swap3A_702 = arith.constant 0 : index
    %swap3A_703 = vector.load %arg5[%swap3A_701, %swap3A_702] : memref<512x128xf32, #tpu.memory_space<vmem>>, vector<512x128xf32>
    tpu.vector_store %arg5[%swap3A_701, %swap3A_702], %select_n3A_698 {strides = array<i32>} : memref<512x128xf32, #tpu.memory_space<vmem>>, vector<512x128xf32>,
    return
  }
  func.func @transform_0(%arg0: i32) -> (i32, i32) {
    %c0_i32 = arith.constant 0 : i32
    %c0_i32_0 = arith.constant 0 : i32
    return %arg0, %c0_i32 : i32, i32
  }
  func.func @transform_1(%arg0: i32) -> (i32, i32, i32) {
    %c0_i32 = arith.constant 0 : i32
    %c0_i32_0 = arith.constant 0 : i32
    %c0_i32_1 = arith.constant 0 : i32
    return %c0_i32, %arg0, %c0_i32_0 : i32, i32, i32
  }
  func.func @transform_2(%arg0: i32) -> (i32, i32, i32) {
    %c0_i32 = arith.constant 0 : i32
    %c0_i32_0 = arith.constant 0 : i32
    %c0_i32_1 = arith.constant 0 : i32
    return %c0_i32, %arg0, %c0_i32_0 : i32, i32, i32
  }
  func.func @transform_3(%arg0: i32) -> (i32, i32) {
    %c0_i32 = arith.constant 0 : i32
    %c0_i32_0 = arith.constant 0 : i32
    return %arg0, %c0_i32 : i32, i32
  }
  func.func @transform_4(%arg0: i32) -> (i32, i32) {
    %c0_i32 = arith.constant 0 : i32
    %c0_i32_0 = arith.constant 0 : i32
    return %arg0, %c0_i32 : i32, i32
  }
}

</mosaic_0001>

<sc_bundles>
// kernel: sparse-core-data-format-call.1.cloned.1.call-start
scs
called_computation.1_lowered:
.L_overlay_start_0:
0x0: {  	s2 =	sld [smem:$0x3FD9]  }
0x1: {  	s3 =	sld [smem:$0x3FFE];
	_ =	sdelay $0x1  }
0x2: {  	s1 =	srdreg.scid  }
0x3: {  	s0 =	sand.u32 $0x1, s1  }
0x4: {  	s18 =	sshll.u32 s0, $0xA;
	s2 =	sadd.s32 s3, s2  }
0x5: {  	s2 =	sadd.s32 s2, s18  }
0x6: {  	[smem:$0x3FC5] =	sst s2  }
0x7: {  	_ = 	snop  }
0x8: {  	s2 =	sld [smem:$0x3FC8];
	(tm) =	ssettm $0x1  }
0x9: {  	s19 =	sld [smem:$0x3FFB];
	_ =	sdelay $0x3  }
0xa: {  	_ =	strace s19  }
0xb: {  	s3 =	sld [smem:$0x3FFC];
	_ =	sdelay $0x3  }
0xc: {  	_ =	strace s3  }
0xd: {  	s3 =	sld [smem:$0x3FFD];
	_ =	sdelay $0x3  }
0xe: {  	_ =	strace s3  }
0xf: {  	_ =	strace $0x8FFFFFFF  }
0x10: {  	s20 =	sld [smem:$0x3FDB];
	_ =	sdelay $0x1  }
0x11: {  	s4 =	simm.s32 $_scs_section_size  }
0x12: {  	s5 =	simm.s32 $_size__tile_overlayer_lowered;
	s6 =	simm.s32 $_tile_overlayer_lowered  }
0x13: {  	s23 =	simm.s32 $0x1BFF;
	s22 =	sshll.u32 s6, $0x1;
	s3 =	sadd.s32 s4, s20  }
0x14: {  	s7 =	simm.s32 $0x0;
	s21 =	sshll.u32 s5, $0x1;
	s5 =	sadd.s32 s22, s3  }
0x15: {  	[timem:s7], [sflag:s23] =	dma.local [hbm:s5], s21  }
0x16: {  	_ =	swait.ge [sflag:s23], s21  }
0x17: {  	s4 =	ssub.s32 $0x0, s21;
	[sflag:s23] =	ssyncset.done $0x0  }
0x18: {  	[sflag:s23] =	ssyncadd.s32 s4;
	_ =	sdelay $0x1  }
0x19: {  	s24 =	simm.s32 $0x1B8B  }
0x1a: {  	_ =	swait.ge [sflag:s24], $0x1  }
0x1b: {  	[sflag:s24] =	ssyncset.done $0x0  }
0x1c: {  	s26 =	simm.s32 $0x1B8E;
	s25 =	sld [smem:$0x3FFE];
	[sflag:s24] =	ssyncadd.s32 $0xFFFFFFFF  }
0x1d: {  	s27 =	simm.s32 $execute0_lowered;
	[smem:$0x3FD2] =	sst s26  }
0x1e: {  	s5 =	sshll.u32 s27, $0x1;
	_ =	strace $0x80000046;
	[dreg:$0x1] =	wrdreg $0xFFFFFFFF  }
0x1f: {  	s28 =	simm.s32 $_size_execute0_lowered;
	s3 =	sadd.s32 s3, s5;
	[dreg:$0x0] =	wrdreg $0x0  }
0x20: {  	s5 =	sshll.u32 s28, $0x1;
	[dreg:$0x2] =	wrdreg s3  }
0x21: {  	[dreg:$0x3] =	wrdreg s5  }
0x22: {  	[dreg:$0x4] =	wrdreg $0xC0  }
0x23: {  	_ =	task [dreg:s7], $0x5FFFF  }
0x24: {  	[dreg:$0x1] =	wrdreg $0xFFFFFFFF  }
0x25: {  	[dreg:$0x0] =	wrdreg $0x60  }
0x26: {  	[dreg:$0x2] =	wrdreg s2  }
0x27: {  	[dreg:$0x3] =	wrdreg s25  }
0x28: {  	[dreg:$0x4] =	wrdreg $0xA  }
0x29: {  	_ =	task.clear_ibuf [dreg:s7], $0x5FFFF;
	_ =	strace $0x90000046  }
0x2a: {  	s29 =	simm.s32 $0xA;
	_ =	strace $0x80000048  }
0x2b: {  	_ =	swait.ge [sflag:s29], $0x1  }
0x2c: {  	[sflag:s29] =	ssyncadd.s32 $0xFFFFFFFF  }
0x2d: {  	_ =	strace $0x90000048  }
0x2e: {  	_ =	sfence  }
0x2f: {  	s30 =	sld [smem:$0x0];
	_ =	sdelay $0x2  }
0x30: {  	s31 =	sshll.u32 s1, $0xD;
	s1 =	sshrl.u32 s1, $0x2  }
0x31: {  	s3 =	sand.u32 $0x4000, s31;
	s1 =	sadd.s32 s1, s30  }
0x32: {  	s0 =	sor.u32 s3, s0;
	s1 =	sshll.u32 s1, $0x11  }
0x33: {  	s0 =	sor.u32 s1, s0  }
0x34: {  	s0 =	sadd.s32 $0x8F2B, s0  }
0x35: {  	[sflag:s0] =	ssyncadd.remote.s32 $0x1  }
0x36: {  	_ =	sfence.sel $0xFFFF  }
0x37: {  	[dreg:$0x0] =	wrdreg $0xFFFFFFFF;
	(pc) =	sbr.abs _section_cstart, $3  }
0x38: {  	[dreg:$0x1] =	wrdreg $0xFFFFFFFF  }
0x39: {  	_ =	task.clear_ibuf [dreg:s7], $0x2FFFF;
	_ =	strace $0x9FFFFFFF  }
0x3a: {  	(tm) =	ssettm $0x7FFFFFFF  }
0x3b: {  	_ =	shalt  }
tec
execute0_lowered:
.L_overlay_start_1:
0x0: {  	(tag) =	ssettag $0x1  }
0x1: {  	s0 =	srdreg.scid  }
0x2: {  	s2 =	rddreg [dreg:$0x0];
	s1 =	sshll.u32 s0, $0x4  }
0x3: {  	s5 =	rddreg [dreg:$0x1];
	s0 =	stileid.u32;
	s1 =	sand.u32 $0x10, s1  }
0x4: {  	s4 =	simm.s32 $0x1;
	s8 =	simm.s32 $0x2;
	s1 =	sor.u32 s0, s1  }
0x5: {  	s13 =	simm.s32 $0x0;
	s9 =	simm.s32 $0x400000;
	s3 =	sshll.u32 s1, $0x5  }
0x6: {  	s10 =	simm.s32 $0x0;
	s12 =	simm.s32 $0x0;
	s6 =	ssub.s32 $0x8000, s3  }
.Ltmp0:
0x7: {  	s5 =	sadd.s32 $0xC00, s5;
	s7 =	sand.u32 $0x3E0, s6;
	(pc) =	sbr.rel .LBB1_1-.Ltmp0, $4  }
0x8: {  	s1 =	rddreg [dreg:$0x2];
	p0 =	sne.s32 s7, $0x0;
	s7 =	simm.s32 $0x1  }
0x9: {  	_ =	strace $0x80000047;
	s6 =	sshrl.u32 s6, $0xA;
	s7 =	simm.s32 @!p0 $0x0  }
0xa: {  	[sflag:s4] =	ssyncpa.u1 $0x0;
	s11 =	smov.u32 s3;
	s6 =	sadd.s32 s7, s6  }
0xb: {  	[sflag:s8] =	ssyncpa.u1 $0x0;
	s8 =	simm.s32 $0x1000;
	s7 =	sadd.s32 $0x1, s6  }
.LBB1_7:
0xc: {  	s15 =	sadd.s32 $0x400, s11  }
0xd: {  	p1 =	sgt.s32 s15, $0x7FFF  }
0xe: {  	s15 =	smov.u32 @p1 s3;
	p1 =	sne.s32 s12, s7  }
.Ltmp1:
0xf: {  	p0 =	slt.u32 s12, $0x2;
	(pc) =	sbr.rel @!p1 .LBB1_8-.Ltmp1, $4  }
0x10: {  	s14 =	simm.s32 @!p0 $0x2  }
0x11: {  	s16 =	sadd.s32 $0x1, s12;
	_ =	swait.ge @!p0 [sflag:s14], $0x4000  }
0x12: {  	s13 =	smov.u32 s11;
	s10 =	sadd.s32 $0x4000, s10;
	[sflag:s14] =	ssyncset.done @!p0 $0x0  }
0x13: {  	s12 =	smov.u32 s16;
	s11 =	smov.u32 s15;
	[sflag:s14] =	ssyncadd.s32 @!p0 $0xFFFFC000  }
.LBB1_1:
0x14: {  	p0 =	sge.u32 s12, s6  }
0x15: {  	s14 =	sxor.u32 @!p0 $0xFFFFFFFF, s12  }
0x16: {  	s31 =	sadd.s32 $0xFFFFFFFF, s12;
	s15 =	sshll.u32 @!p0 s11, $0x6;
	s14 =	sshll.u32 @!p0 s14, $0xE  }
0x17: {  	s16 =	simm.s32 @!p0 $0x0;
	s15 =	sadd.s32 @!p0 s2, s15;
	s14 =	sand.u32 @!p0 $0x4000, s14  }
0x18: {  	[tilespmem:s14], [sflag:$0x1] =	stream.linear.gather @!p0 [hbm4b:s15+s16], $0x4000, $0x38;
	[tilespmem:$0x10000] =	vst v63  }
0x19: {  	p0 =	sge.u32 s31, s6  }
.Ltmp2:
0x1a: {  	_ = 	snop;
	(pc) =	sbr.rel @p0 .LBB1_7-.Ltmp2, $1  }
0x1b: {  	_ =	sdelay $0x3  }
0x1c: {  	s15 =	sand.u32 $0x4000, s10  }
0x1d: {  	_ =	swait.ge [sflag:s4], $0x4000;
	s17 =	sshll.u32 s12, $0xE;
	s14 =	sor.u32 $0x8040, s15  }
0x1e: {  	s16 =	sor.u32 $0x40, s15;
	[sflag:s4] =	ssyncset.done $0x0;
	s31 =	sand.u32 $0x4000, s17  }
0x1f: {  	s17 =	simm.s32 $0x0;
	[sflag:s4] =	ssyncadd.s32 $0xFFFFC000;
	s15 =	sor.u32 $0x8000, s31  }
.LBB1_3:
0x20: {  	v0 =	vmov s16;
	_ =	sdelay $0x3  }
0x21: {  	s19 =	simm.s32 $0x0  }
0x22: {  	v6 =	vld.idx.msk [tilespmem:v0+s19+$0x30 ss:$0x1], $0xffff  }
0x23: {  	v7 =	vld.idx.msk [tilespmem:v0+s19+$0xFFFFFFC0 ss:$0x1], $0xffff  }
0x24: {  	v5 =	vld.idx.msk [tilespmem:v0+s19+$0xFFFFFFD0 ss:$0x1], $0xffff  }
0x25: {  	v4 =	vld.idx.msk [tilespmem:v0+s19+$0xFFFFFFE0 ss:$0x1], $0xffff  }
0x26: {  	v3 =	vld.idx.msk [tilespmem:v0+s19+$0xFFFFFFF0 ss:$0x1], $0xffff  }
0x27: {  	v1 =	vld.idx.msk [tilespmem:v0+s19+$0x0 ss:$0x1], $0xffff  }
0x28: {  	v2 =	vld.idx.msk [tilespmem:v0+s19+$0x10 ss:$0x1], $0xffff;
	[tilespmem:s14+$0x30] =	vst v6  }
0x29: {  	s18 =	simm.s32 $0x80;
	s20 =	simm.s32 $0x400;
	[tilespmem:s14+$0xFFFFFFC0] =	vst v7;
	v6 =	vld.idx.msk [tilespmem:v0+s19+$0x20 ss:$0x1], $0xffff;
	s19 =	smov.u32 s14  }
.LBB1_4:
0x2a: {  	p0 =	sne.s32 s20, $0x600;
	v7 =	vld.idx.msk [tilespmem:v0+s18+$0x30 ss:$0x1], $0xffff;
	[tilespmem:s19+$0xFFFFFFD0] =	vst v5  }
0x2b: {  	v8 =	vld.idx.msk [tilespmem:v0+s18+$0xFFFFFFC0 ss:$0x1], $0xffff;
	[tilespmem:s19+$0xFFFFFFE0] =	vst v4  }
0x2c: {  	v5 =	vld.idx.msk [tilespmem:v0+s18+$0xFFFFFFD0 ss:$0x1], $0xffff;
	[tilespmem:s19+$0xFFFFFFF0] =	vst v3  }
.Ltmp3:
0x2d: {  	v4 =	vld.idx.msk [tilespmem:v0+s18+$0xFFFFFFE0 ss:$0x1], $0xffff;
	[tilespmem:s19+$0x0] =	vst v1;
	(pc) =	sbr.rel @p0 .LBB1_4-.Ltmp3, $4  }
0x2e: {  	v3 =	vld.idx.msk [tilespmem:v0+s18+$0xFFFFFFF0 ss:$0x1], $0xffff;
	[tilespmem:s19+$0x10] =	vst v2  }
0x2f: {  	v1 =	vld.idx.msk [tilespmem:v0+s18+$0x0 ss:$0x1], $0xffff;
	[tilespmem:s19+$0x20] =	vst v6;
	s19 =	sadd.s32 $0x1000, s19  }
0x30: {  	v2 =	vld.idx.msk [tilespmem:v0+s18+$0x10 ss:$0x1], $0xffff;
	[tilespmem:s19+$0x30] =	vst v7  }
0x31: {  	[tilespmem:s19+$0xFFFFFFC0] =	vst v8;
	v6 =	vld.idx.msk [tilespmem:v0+s18+$0x20 ss:$0x1], $0xffff;
	s18 =	sshra.s32 s20, $0x2;
	s20 =	sadd.s32 $0x200, s20  }
0x32: {  	_ =	sdelay $0x2  }
0x33: {  	[tilespmem:s19+$0xFFFFFFD0] =	vst v5  }
0x34: {  	v56 =	vld.idx.msk [tilespmem:v0+s18+$0x30 ss:$0x1], $0xffff;
	[tilespmem:s19+$0xFFFFFFE0] =	vst v4  }
0x35: {  	v57 =	vld.idx.msk [tilespmem:v0+s18+$0xFFFFFFC0 ss:$0x1], $0xffff;
	[tilespmem:s19+$0xFFFFFFF0] =	vst v3  }
0x36: {  	v58 =	vld.idx.msk [tilespmem:v0+s18+$0xFFFFFFD0 ss:$0x1], $0xffff;
	[tilespmem:s19+$0x0] =	vst v1  }
0x37: {  	v59 =	vld.idx.msk [tilespmem:v0+s18+$0xFFFFFFE0 ss:$0x1], $0xffff;
	[tilespmem:s19+$0x10] =	vst v2  }
0x38: {  	v60 =	vld.idx.msk [tilespmem:v0+s18+$0xFFFFFFF0 ss:$0x1], $0xffff;
	s31 =	sadd.s32 $0x1000, s19;
	[tilespmem:s19+$0x20] =	vst v6  }
0x39: {  	v61 =	vld.idx.msk [tilespmem:v0+s18+$0x0 ss:$0x1], $0xffff;
	[tilespmem:s31+$0x30] =	vst v56  }
0x3a: {  	v62 =	vld.idx.msk [tilespmem:v0+s18+$0x10 ss:$0x1], $0xffff;
	s17 =	sadd.s32 $0x1, s17;
	[tilespmem:s31+$0xFFFFFFC0] =	vst v57  }
0x3b: {  	v63 =	vld.idx.msk [tilespmem:v0+s18+$0x20 ss:$0x1], $0xffff;
	p0 =	sne.s32 s17, $0x20;
	[tilespmem:s31+$0xFFFFFFD0] =	vst v58  }
.Ltmp4:
0x3c: {  	[tilespmem:s31+$0xFFFFFFE0] =	vst v59;
	(pc) =	sbr.rel @p0 .LBB1_3-.Ltmp4, $4  }
0x3d: {  	[tilespmem:s31+$0xFFFFFFF0] =	vst v60  }
0x3e: {  	[tilespmem:s31+$0x0] =	vst v61  }
0x3f: {  	[tilespmem:s31+$0x10] =	vst v62  }
0x40: {  	s14 =	sadd.s32 $0x80, s14;
	s16 =	sadd.s32 $0x200, s16;
	[tilespmem:s31+$0x20] =	vst v63  }
.Ltmp5:
0x41: {  	(pc) =	sbr.rel .LBB1_7-.Ltmp5, $4  }
0x42: {  	s13 =	sshll.u32 s13, $0x4  }
0x43: {  	s13 =	sand.u32 $0x7FFF0, s13  }
0x44: {  	s13 =	sadd.s32 s5, s13  }
0x45: {  	[hbm4b:s13+s8] =	stream.strided.scatter [tilespmem:s15], [sflag:$0x2], $0x4000, s9, s8, $0x38;
	[tilespmem:$0x10000] =	vst v63  }
.LBB1_8:
0x46: {  	_ =	sfence.sel $0x180000  }
0x47: {  	s2 =	simm.s32 $0x1;
	[bflag:$0x0] =	sbarrier.arrive $0xFFFF  }
0x48: {  	s31 =	simm.s32 $0x2;
	[sflag:s2] =	ssyncpa.u1 $0x1  }
0x49: {  	[sflag:s31] =	ssyncpa.u1 $0x1  }
0x4a: {  	p0 =	sne.s32 s0, $0x0;
	_ =	strace $0x90000047  }
0x4b: {  	s0 =	sadd.s32 @!p0 $0x100000, s1;
	[bflag:$0x2] =	sbarrier.arrive $0xFFFF  }
0x4c: {  	[sflag:s0] =	ssyncadd.tile.s32 @!p0 $0x1;
	_ =	shalt  }
.Lfunc_end1:
_tile_overlayer_lowered:
.L_overlay_start_2:
0x4d: {  	(tag) =	ssettag $0x2  }
0x4e: {  	s0 =	rddreg [dreg:$0x0];
	s2 =	stileid.u32  }
0x4f: {  	s1 =	rddreg [dreg:$0x1];
	p0 =	sne.s32 s2, $0x0  }
0x50: {  	s3 =	rddreg [dreg:$0x2];
	[bflag:$0x3] =	sbarrier.arrive $0xFFFF;
	s2 =	simm.s32 @!p0 $0x1C01  }
0x51: {  	[timem:s3], [sflag:s2] =	dma.local @!p0 [hbm:s0], s1  }
0x52: {  	s0 =	simm.s32 @!p0 $0x1  }
0x53: {  	_ =	swait.ge @!p0 [sflag:s0], s1  }
0x54: {  	s1 =	ssub.s32 @!p0 $0x0, s1;
	[sflag:s0] =	ssyncset.done @!p0 $0x0  }
0x55: {  	[sflag:s0] =	ssyncadd.s32 @!p0 s1  }
0x56: {  	[bflag:$0x3] =	sbarrier.arrive $0xFFFF  }
0x57: {  	_ =	shalt  }

// kernel: sparse-core-data-format-call.cloned.1.call-start
scs
called_computation_lowered:
.L_overlay_start_0:
0x0: {  	s2 =	sld [smem:$0x3FD9]  }
0x1: {  	s3 =	sld [smem:$0x3FFE];
	_ =	sdelay $0x1  }
0x2: {  	s1 =	srdreg.scid  }
0x3: {  	s0 =	sand.u32 $0x1, s1  }
0x4: {  	s18 =	sshll.u32 s0, $0xA;
	s2 =	sadd.s32 s3, s2  }
0x5: {  	s2 =	sadd.s32 s2, s18  }
0x6: {  	[smem:$0x3FC5] =	sst s2  }
0x7: {  	_ = 	snop  }
0x8: {  	s19 =	sld [smem:$0x3FC7];
	(tm) =	ssettm $0x1  }
0x9: {  	s20 =	sld [smem:$0x3FFB];
	_ =	sdelay $0x3  }
0xa: {  	_ =	strace s20  }
0xb: {  	s2 =	sld [smem:$0x3FFC];
	_ =	sdelay $0x3  }
0xc: {  	_ =	strace s2  }
0xd: {  	s2 =	sld [smem:$0x3FFD];
	_ =	sdelay $0x3  }
0xe: {  	_ =	strace s2  }
0xf: {  	_ =	strace $0x8FFFFFFF  }
0x10: {  	s21 =	sld [smem:$0x3FDB];
	_ =	sdelay $0x1  }
0x11: {  	s4 =	simm.s32 $_scs_section_size  }
0x12: {  	s5 =	simm.s32 $_size__tile_overlayer_lowered;
	s6 =	simm.s32 $_tile_overlayer_lowered  }
0x13: {  	s7 =	simm.s32 $0x1BFF;
	s22 =	sshll.u32 s6, $0x1;
	s4 =	sadd.s32 s4, s21  }
0x14: {  	s23 =	simm.s32 $0x0;
	s5 =	sshll.u32 s5, $0x1;
	s6 =	sadd.s32 s22, s4  }
0x15: {  	[timem:s23], [sflag:s7] =	dma.local [hbm:s6], s5  }
0x16: {  	_ =	swait.ge [sflag:s7], s5  }
0x17: {  	s5 =	ssub.s32 $0x0, s5;
	[sflag:s7] =	ssyncset.done $0x0  }
0x18: {  	[sflag:s7] =	ssyncadd.s32 s5;
	_ =	sdelay $0x1  }
0x19: {  	s24 =	simm.s32 $0x1B8B  }
0x1a: {  	_ =	swait.ge [sflag:s24], $0x1  }
0x1b: {  	[sflag:s24] =	ssyncset.done $0x0  }
0x1c: {  	[sflag:s24] =	ssyncadd.s32 $0xFFFFFFFF  }
0x1d: {  	s5 =	sld [smem:$0x0]  }
0x1e: {  	s6 =	sand.u32 $0xFFFFFFFE, s1  }
0x1f: {  	p0 =	sne.s32 s1, s6  }
0x20: {  	s6 =	sshll.u32 @p0 s6, $0xE  }
0x21: {  	s6 =	sadd.s32 @p0 $0x11B8D, s6;
	s7 =	sshll.u32 @p0 s5, $0x11  }
0x22: {  	s6 =	sor.u32 @p0 s7, s6  }
0x23: {  	[sflag:s6] =	ssyncadd.remote.s32 @p0 $0x1;
	_ =	sdelay $0x1  }
0x24: {  	s6 =	simm.s32 @p0 $0x1B8D  }
0x25: {  	_ =	swait.eq @p0 [sflag:s6], $0x1  }
0x26: {  	[sflag:s6] =	ssyncadd.s32 @p0 $0xFFFFFFFF  }
0x27: {  	s7 =	sshll.u32 @!p0 s1, $0xE  }
0x28: {  	s7 =	sor.u32 @!p0 $0x4000, s7;
	s6 =	simm.s32 @!p0 $0x1B8D  }
0x29: {  	s5 =	sshll.u32 @!p0 s5, $0x11;
	s7 =	sadd.s32 @!p0 $0x11B8D, s7;
	_ =	swait.eq @!p0 [sflag:s6], $0x1  }
0x2a: {  	s5 =	sor.u32 @!p0 s5, s7;
	[sflag:s6] =	ssyncadd.s32 @!p0 $0xFFFFFFFF  }
0x2b: {  	s26 =	simm.s32 $0x1B8E;
	s25 =	sld [smem:$0x3FFE];
	[sflag:s5] =	ssyncadd.remote.s32 @!p0 $0x1  }
0x2c: {  	s27 =	simm.s32 $execute0_lowered;
	[smem:$0x3FD2] =	sst s26  }
0x2d: {  	s6 =	sshll.u32 s27, $0x1;
	_ =	strace $0x80000049;
	[dreg:$0x1] =	wrdreg $0xFFFFFFFF  }
0x2e: {  	s28 =	simm.s32 $_size_execute0_lowered;
	s4 =	sadd.s32 s4, s6;
	[dreg:$0x0] =	wrdreg $0x0  }
0x2f: {  	s6 =	sshll.u32 s28, $0x1;
	[dreg:$0x2] =	wrdreg s4  }
0x30: {  	[dreg:$0x3] =	wrdreg s6  }
0x31: {  	[dreg:$0x4] =	wrdreg $0xC0  }
0x32: {  	_ =	task [dreg:s23], $0x5FFFF  }
0x33: {  	[dreg:$0x1] =	wrdreg $0xFFFFFFFF  }
0x34: {  	[dreg:$0x0] =	wrdreg $0x60  }
0x35: {  	[dreg:$0x2] =	wrdreg s19  }
0x36: {  	[dreg:$0x3] =	wrdreg s25  }
0x37: {  	[dreg:$0x4] =	wrdreg $0x9  }
0x38: {  	_ =	task.clear_ibuf [dreg:s23], $0x5FFFF;
	_ =	strace $0x90000049  }
0x39: {  	s29 =	simm.s32 $0x9;
	_ =	strace $0x8000004B  }
0x3a: {  	_ =	swait.ge [sflag:s29], $0x1  }
0x3b: {  	[sflag:s29] =	ssyncadd.s32 $0xFFFFFFFF  }
0x3c: {  	_ =	strace $0x9000004B  }
0x3d: {  	_ =	sfence  }
0x3e: {  	s30 =	sld [smem:$0x0];
	_ =	sdelay $0x2  }
0x3f: {  	s31 =	sshll.u32 s1, $0xD;
	s1 =	sshrl.u32 s1, $0x2  }
0x40: {  	s4 =	sand.u32 $0x4000, s31;
	s1 =	sadd.s32 s1, s30  }
0x41: {  	s0 =	sor.u32 s4, s0;
	s1 =	sshll.u32 s1, $0x11  }
0x42: {  	s0 =	sor.u32 s1, s0  }
0x43: {  	s0 =	sadd.s32 $0x8F2B, s0  }
0x44: {  	[sflag:s0] =	ssyncadd.remote.s32 $0x1  }
0x45: {  	_ =	sfence.sel $0xFFFF  }
0x46: {  	[dreg:$0x0] =	wrdreg $0xFFFFFFFF;
	(pc) =	sbr.abs _section_cstart, $3  }
0x47: {  	[dreg:$0x1] =	wrdreg $0xFFFFFFFF  }
0x48: {  	_ =	task.clear_ibuf [dreg:s23], $0x2FFFF;
	_ =	strace $0x9FFFFFFF  }
0x49: {  	(tm) =	ssettm $0x7FFFFFFF  }
tec
execute0_lowered:
.L_overlay_start_1:
0x0: {  	(tag) =	ssettag $0x1  }
0x1: {  	s0 =	srdreg.scid  }
0x2: {  	s1 =	sshll.u32 s0, $0x4  }
0x3: {  	s0 =	stileid.u32;
	s1 =	sand.u32 $0x10, s1  }
0x4: {  	s3 =	rddreg [dreg:$0x0];
	s1 =	sor.u32 s0, s1  }
0x5: {  	s6 =	rddreg [dreg:$0x1];
	s2 =	sshll.u32 s1, $0x6  }
0x6: {  	s7 =	simm.s32 $0x2;
	s13 =	simm.s32 $0x0;
	s1 =	ssub.s32 $0x8000, s2  }
0x7: {  	s8 =	simm.s32 $0x2000;
	s9 =	simm.s32 $0x400000;
	s4 =	sand.u32 $0x7C0, s1  }
0x8: {  	s14 =	simm.s32 $0x0;
	p0 =	sne.s32 s4, $0x0;
	s4 =	simm.s32 $0x1  }
.Ltmp0:
0x9: {  	s5 =	sshrl.u32 s1, $0xB;
	s4 =	simm.s32 @!p0 $0x0;
	(pc) =	sbr.rel .LBB1_1-.Ltmp0, $4  }
0xa: {  	s10 =	simm.s32 $0x0;
	s1 =	rddreg [dreg:$0x2];
	s5 =	sadd.s32 s4, s5  }
0xb: {  	_ =	strace $0x8000004A;
	s4 =	simm.s32 $0x1;
	s5 =	smul.u32 $0x3, s5  }
0xc: {  	s12 =	simm.s32 $0x0;
	s6 =	sadd.s32 $0x200C00, s6;
	[sflag:s4] =	ssyncpa.u1 $0x0  }
0xd: {  	s11 =	smov.u32 s2;
	[sflag:s7] =	ssyncpa.u1 $0x0;
	s7 =	sadd.s32 $0x1, s5  }
.LBB1_7:
0xe: {  	s15 =	sadd.s32 $0x2, s10  }
0xf: {  	s13 =	sadd.s32 $0x800, s11;
	s17 =	smov.u32 s11;
	p1 =	sgt.s32 s15, $0x5  }
0x10: {  	s17 =	smov.u32 @p1 s13  }
0x11: {  	s15 =	simm.s32 @p1 $0x0;
	p1 =	sgt.s32 s17, $0x7FFF  }
0x12: {  	s17 =	smov.u32 @p1 s2;
	p1 =	sne.s32 s12, s7  }
.Ltmp1:
0x13: {  	p0 =	slt.u32 s12, $0x2;
	(pc) =	sbr.rel @!p1 .LBB1_8-.Ltmp1, $4  }
0x14: {  	s16 =	simm.s32 @!p0 $0x2  }
0x15: {  	s14 =	smov.u32 s11;
	_ =	swait.ge @!p0 [sflag:s16], $0x4000  }
0x16: {  	s13 =	smov.u32 s10;
	[sflag:s16] =	ssyncset.done @!p0 $0x0;
	s10 =	smov.u32 s15  }
0x17: {  	s12 =	sadd.s32 $0x1, s12;
	[sflag:s16] =	ssyncadd.s32 @!p0 $0xFFFFC000;
	s11 =	smov.u32 s17  }
.LBB1_1:
0x18: {  	p0 =	sge.u32 s12, s5  }
0x19: {  	s31 =	sadd.s32 $0xFFFFFFFF, s12;
	s15 =	sxor.u32 @!p0 $0xFFFFFFFF, s12  }
0x1a: {  	s16 =	sshll.u32 @!p0 s11, $0x7;
	s17 =	sshll.u32 @!p0 s10, $0x4;
	s18 =	simm.s32 @!p0 $0x400  }
0x1b: {  	s15 =	sshll.u32 @!p0 s15, $0xE;
	s17 =	sand.u32 @!p0 $0x70, s17;
	s16 =	sadd.s32 @!p0 s3, s16  }
0x1c: {  	s15 =	sand.u32 @!p0 $0x4000, s15;
	s16 =	sadd.s32 @!p0 s17, s16;
	s17 =	simm.s32 @!p0 $0x100  }
0x1d: {  	[tilespmem:s15], [sflag:$0x1] =	stream.strided.gather @!p0 [hbm4b:s16+s17], $0x4000, s18, s17, $0x38;
	[tilespmem:$0x10000] =	vst v63  }
0x1e: {  	p0 =	sge.u32 s31, s5  }
.Ltmp2:
0x1f: {  	_ = 	snop;
	(pc) =	sbr.rel @p0 .LBB1_7-.Ltmp2, $1  }
0x20: {  	_ =	sdelay $0x3  }
0x21: {  	_ =	swait.ge [sflag:s4], $0x4000;
	s15 =	sshll.u32 s12, $0xE  }
0x22: {  	[sflag:s4] =	ssyncset.done $0x0;
	s16 =	sand.u32 $0x4000, s15  }
0x23: {  	s17 =	simm.s32 $0x0;
	[sflag:s4] =	ssyncadd.s32 $0xFFFFC000;
	s15 =	sor.u32 $0x8000, s16  }
.LBB1_3:
0x24: {  	s18 =	sshll.u32 s17, $0x8  }
0x25: {  	s18 =	sand.u32 $0x3FFFFF00, s18  }
0x26: {  	s19 =	sshll.u32 s17, $0x7;
	s18 =	sadd.s32 s18, s16  }
0x27: {  	s19 =	sand.u32 $0x3FFFFF80, s19;
	v0 =	vmov s18  }
0x28: {  	s19 =	sadd.s32 s19, s15  }
0x29: {  	p0 =	por $0x1, $0x1;
	v1 =	vmov s19;
	s18 =	simm.s32 $0x0  }
.LBB1_4:
0x2a: {  	s19 =	sshll.u32 s18, $0x7  }
0x2b: {  	s19 =	sand.u32 $0x3FFFFF80, s19  }
0x2c: {  	v2 =	vld.idx.msk [tilespmem:v0+s19+$0x0 ss:$0x1], $0xffff  }
0x2d: {  	v3 =	vld.idx.msk [tilespmem:v0+s19+$0x10 ss:$0x1], $0xffff  }
0x2e: {  	v4 =	vld.idx.msk [tilespmem:v0+s19+$0x20 ss:$0x1], $0xffff  }
0x2f: {  	s31 =	sshll.u32 s18, $0xD;
	v5 =	vld.idx.msk [tilespmem:v0+s19+$0x30 ss:$0x1], $0xffff  }
0x30: {  	s18 =	sand.u32 $0x3FFFE000, s31;
	v6 =	vld.idx.msk [tilespmem:v0+s19+$0x40 ss:$0x1], $0xffff  }
0x31: {  	v63 =	vld.idx.msk [tilespmem:v0+s19+$0x70 ss:$0x1], $0xffff;
	[tilespmem:v1+s18+$0x0 ss:$0x1] =	vst.idx.msk $0xffff, v2  }
0x32: {  	v2 =	vld.idx.msk [tilespmem:v0+s19+$0x50 ss:$0x1], $0xffff;
	[tilespmem:v1+s18+$0x10 ss:$0x1] =	vst.idx.msk $0xffff, v3  }
0x33: {  	p1 =	por p0, p0;
	v3 =	vld.idx.msk [tilespmem:v0+s19+$0x60 ss:$0x1], $0xffff;
	[tilespmem:v1+s18+$0x20 ss:$0x1] =	vst.idx.msk $0xffff, v4  }
.Ltmp3:
0x34: {  	[tilespmem:v1+s18+$0x30 ss:$0x1] =	vst.idx.msk $0xffff, v5;
	(pc) =	sbr.rel @p1 .LBB1_4-.Ltmp3, $4  }
0x35: {  	[tilespmem:v1+s18+$0x40 ss:$0x1] =	vst.idx.msk $0xffff, v6  }
0x36: {  	[tilespmem:v1+s18+$0x70 ss:$0x1] =	vst.idx.msk $0xffff, v63  }
0x37: {  	[tilespmem:v1+s18+$0x50 ss:$0x1] =	vst.idx.msk $0xffff, v2  }
0x38: {  	p0 =	por $0x0, $0x0;
	[tilespmem:v1+s18+$0x60 ss:$0x1] =	vst.idx.msk $0xffff, v3;
	s18 =	simm.s32 $0x1  }
0x39: {  	s17 =	sadd.s32 $0x1, s17  }
0x3a: {  	p0 =	sne.s32 s17, $0x40  }
.Ltmp4:
0x3b: {  	_ = 	snop;
	(pc) =	sbr.rel @p0 .LBB1_3-.Ltmp4, $1  }
0x3c: {  	_ =	sdelay $0x3  }
.Ltmp5:
0x3d: {  	s14 =	sshll.u32 s14, $0x4;
	(pc) =	sbr.rel .LBB1_7-.Ltmp5, $4  }
0x3e: {  	s14 =	sand.u32 $0x7FFF0, s14  }
0x3f: {  	s13 =	sshll.u32 s13, $0x13;
	s14 =	sadd.s32 s6, s14  }
0x40: {  	s13 =	sadd.s32 s13, s14  }
0x41: {  	[hbm4b:s13+s8] =	stream.strided.scatter [tilespmem:s15], [sflag:$0x2], $0x4000, s9, s8, $0x38;
	[tilespmem:$0x10000] =	vst v63  }
.LBB1_8:
0x42: {  	_ =	sfence.sel $0x180000  }
0x43: {  	s2 =	simm.s32 $0x1;
	[bflag:$0x0] =	sbarrier.arrive $0xFFFF  }
0x44: {  	s31 =	simm.s32 $0x2;
	[sflag:s2] =	ssyncpa.u1 $0x1  }
0x45: {  	[sflag:s31] =	ssyncpa.u1 $0x1  }
0x46: {  	p0 =	sne.s32 s0, $0x0;
	_ =	strace $0x9000004A  }
0x47: {  	s0 =	sadd.s32 @!p0 $0x100000, s1;
	[bflag:$0x2] =	sbarrier.arrive $0xFFFF  }
0x48: {  	[sflag:s0] =	ssyncadd.tile.s32 @!p0 $0x1;
	_ =	shalt  }
.Lfunc_end1:
_tile_overlayer_lowered:
.L_overlay_start_2:
0x49: {  	(tag) =	ssettag $0x2  }
0x4a: {  	s0 =	rddreg [dreg:$0x0];
	s2 =	stileid.u32  }
0x4b: {  	s1 =	rddreg [dreg:$0x1];
	p0 =	sne.s32 s2, $0x0  }
0x4c: {  	s3 =	rddreg [dreg:$0x2];
	[bflag:$0x3] =	sbarrier.arrive $0xFFFF;
	s2 =	simm.s32 @!p0 $0x1C01  }
0x4d: {  	[timem:s3], [sflag:s2] =	dma.local @!p0 [hbm:s0], s1  }
0x4e: {  	s0 =	simm.s32 @!p0 $0x1  }
0x4f: {  	_ =	swait.ge @!p0 [sflag:s0], s1  }
0x50: {  	s1 =	ssub.s32 @!p0 $0x0, s1;
	[sflag:s0] =	ssyncset.done @!p0 $0x0  }
0x51: {  	[sflag:s0] =	ssyncadd.s32 @!p0 s1  }
0x52: {  	[bflag:$0x3] =	sbarrier.arrive $0xFFFF  }
0x53: {  	_ =	shalt  }

</sc_bundles>
